<compile_context>
chip_gen: v7x
topology: tpu7x:2x2x1
jax: 0.10.2.dev20260603
libtpu: 0.0.44.dev20260713+nightly
codegen_flags: <defaults>
</compile_context>

<pallas_src>
import jax
import jax.numpy as jnp
from jax.experimental import pallas as pl
from jax.experimental.pallas import tpu as pltpu
from jax.experimental.pallas import tpu_sc as plsc

_W = 128
_PW = 2048
_OFF = 501760


def _tc_prep(ids):
    b, s = ids.shape

    def body(i_ref, h_ref, p_ref):
        x = jnp.swapaxes(i_ref[...], 0, 1)
        hi = (x >= _OFF).astype(jnp.int32)
        h_ref[...] = x - _OFF * hi
        p_ref[...] = hi

    return pl.pallas_call(
        body,
        out_shape=(
            jax.ShapeDtypeStruct((s, b), jnp.int32),
            jax.ShapeDtypeStruct((s, b), jnp.int32),
        ),
    )(ids.astype(jnp.int32))


def _tc_pairs(table_t):
    h, v = table_t.shape
    n_blocks = pl.cdiv(v, _PW)
    half_blocks = _OFF // _PW

    def body(a_ref, b_ref, i_ref, o_ref):
        eye = i_ref[...]
        ta = jax.lax.dot_general(
            a_ref[...].astype(jnp.bfloat16), eye,
            (((0,), (0,)), ((), ())), preferred_element_type=jnp.float32)
        tb = jax.lax.dot_general(
            b_ref[...].astype(jnp.bfloat16), eye,
            (((0,), (0,)), ((), ())), preferred_element_type=jnp.float32)
        o_ref[...] = jnp.concatenate([ta, tb], axis=1)

    return pl.pallas_call(
        body,
        grid=(half_blocks,),
        in_specs=[
            pl.BlockSpec((h, _PW), lambda i: (0, i)),
            pl.BlockSpec(
                (h, _PW),
                lambda i, _hb=half_blocks, _nb=n_blocks: (
                    0, jnp.minimum(i + _hb, _nb - 1))),
            pl.BlockSpec((h, h), lambda i: (0, 0)),
        ],
        out_specs=pl.BlockSpec((_PW, 2 * h), lambda i: (i, 0)),
        out_shape=jax.ShapeDtypeStruct((_OFF, 2 * h), table_t.dtype),
    )(table_t, table_t, jnp.eye(h, dtype=jnp.bfloat16))


def _sc_gather(pairs, row_idx):
    s, b = row_idx.shape
    n = s * b
    mesh = plsc.VectorSubcoreMesh(core_axis_name="core", subcore_axis_name="subcore")
    wpr = b // _W

    @pl.kernel(
        out_type=jax.ShapeDtypeStruct((n, 128), pairs.dtype),
        mesh=mesh,
    )
    def gather_kernel(pairs_hbm, i_hbm, o_hbm):
        def body(i_vmem, o_vmem):
            pltpu.sync_copy(pairs_hbm.at[i_vmem.at[0]], o_vmem)

        pltpu.emit_pipeline(
            body,
            grid=(s, wpr),
            in_specs=[pl.BlockSpec((1, _W), lambda i, j: (i, j))],
            out_specs=[pl.BlockSpec((_W, 128), lambda i, j, _wpr=wpr: (i * _wpr + j, 0))],
            core_axis_name=("core", "subcore"),
            dimension_semantics=(pltpu.PARALLEL, pltpu.PARALLEL),
        )(i_hbm, o_hbm)

    return gather_kernel(pairs, row_idx)


def _tc_select_add_t(tmp3, half, pos):
    seq, batch, _ = tmp3.shape
    h = pos.shape[-1]

    sc = max(d for d in (8, 4, 2, 1) if seq % d == 0)

    def body(t_ref, p_ref, e_ref, o_ref):
        x = t_ref[...]
        p3 = jax.lax.broadcast_in_dim(p_ref[...], (sc, batch, h), (0, 1))
        sel = jnp.where(p3 == 1, x[:, :, h:], x[:, :, :h])
        selt = jnp.transpose(sel, (0, 2, 1))
        o_ref[...] = selt + jax.lax.broadcast_in_dim(e_ref[...], (sc, h, batch), (0, 1))

    return pl.pallas_call(
        body,
        grid=(seq // sc,),
        in_specs=[
            pl.BlockSpec((sc, batch, 128), lambda i: (i, 0, 0)),
            pl.BlockSpec((sc, batch), lambda i: (i, 0)),
            pl.BlockSpec((sc, h), lambda i: (i, 0)),
        ],
        out_specs=pl.BlockSpec((sc, h, batch), lambda i: (i, 0, 0)),
        out_shape=jax.ShapeDtypeStruct((seq, h, batch), pos.dtype),
        compiler_params=pltpu.CompilerParams(dimension_semantics=("parallel",)),
    )(tmp3, half, pos)


def kernel(input_ids, token_table, position_table):
    batch, seq = input_ids.shape
    vocab, hidden = token_table.shape

    row_idx, half = _tc_prep(input_ids)
    table_t = jnp.swapaxes(token_table, 0, 1)
    pairs = _tc_pairs(table_t)

    tmp = _sc_gather(pairs, row_idx)
    tmp3 = tmp.reshape(seq, batch, 2 * hidden)
    out_t = _tc_select_add_t(tmp3, half, position_table)
    return jnp.swapaxes(out_t, 1, 2)

# --- scband reference (transcript-rebuilt; emitter-appended) ---
"""Pipeline reference for scband-embedding-module-23003844837972 (READ-ONLY COPY).

The authoritative reference and input builder live on the scoring server;
editing this copy changes nothing except your own understanding.
"""

import jax, jax.numpy as jnp
import numpy as np

VOCAB = 1000000
HIDDEN = 64
SEQ = 200
BATCH = 1024

def setup_inputs(seed: int = 0) -> dict:
    key = jax.random.key(seed)
    k_idx, k_tok, k_pos = jax.random.split(key, 3)
    input_ids = jax.random.randint(k_idx, (BATCH, SEQ), 0, VOCAB, dtype=jnp.int64 if jax.config.jax_enable_x64 else jnp.int32)
    token_table = jax.random.normal(k_tok, (VOCAB, HIDDEN), dtype=jnp.float32) * 0.02
    position_table = jax.random.normal(k_pos, (SEQ, HIDDEN), dtype=jnp.float32) * 0.02
    return {"input_ids": input_ids, "token_table": token_table, "position_table": position_table}

def reference(input_ids, token_table, position_table):
    batch_size, seq_len = input_ids.shape
    positions = jnp.arange(seq_len)[None, :]  # [1, seq_len]
    token_emb = jnp.take(token_table, input_ids, axis=0)        # [B, S, H]
    position_emb = jnp.take(position_table, positions, axis=0)  # [1, S, H]
    x = token_emb + position_emb
    x = jnp.swapaxes(x, 0, 1)  # [S, B, H]
    return x

if __name__ == "__main__":
    import jax
    _d = setup_inputs()
    print(jax.jit(kernel)(*tuple(_d.values())))

</pallas_src>

<mosaic_0001>
#map = affine_map<(d0, d1) -> (0, 0)>
module attributes {stable_mosaic.version = 14 : i64} {
  func.func @gather_kernel(%arg0: i32, %arg1: i32, %arg2: memref<501760x128xf32, #tpu.memory_space<hbm>>, %arg3: memref<200x1024xi32, #tpu.memory_space<hbm>>, %arg4: memref<204800x128xf32, #tpu.memory_space<hbm>>) attributes {dimension_semantics = [#tpu.dimension_semantics<core_parallel>, #tpu.dimension_semantics<subcore_parallel>], iteration_bounds = array<i64: 2, 16>, scalar_prefetch = 0 : i64, scratch_operands = 0 : i64, tpu.core_type = #tpu.core_type<sc_vector_subcore>, window_params = [{transform_indices = #map}, {transform_indices = #map}, {transform_indices = #map}]} {
    %mul3A = arith.constant 1 : i32
    %mul3A_0 = arith.muli %arg1, %mul3A : i32
    %add3A = arith.constant 0 : i32
    %add3A_1 = arith.addi %add3A, %mul3A_0 : i32
    %mul3A_2 = arith.constant 16 : i32
    %mul3A_3 = arith.muli %arg0, %mul3A_2 : i32
    %add3A_4 = arith.addi %add3A_1, %mul3A_3 : i32
    %lt3A = arith.constant 8 : i32
    %lt3A_5 = arith.cmpi slt, %add3A_4, %lt3A : i32
    %jit3A = arith.constant 7 : i32
    %jit3A_6 = arith.constant 6 : i32
    %select_n3A = arith.select %lt3A_5, %jit3A, %jit3A_6 : i32
    %lt3A_7 = arith.constant 8 : i32
    %lt3A_8 = arith.cmpi slt, %add3A_4, %lt3A_7 : i32
    %mul3A_9 = arith.muli %add3A_4, %select_n3A : i32
    %mul3A_10 = arith.constant 6 : i32
    %mul3A_11 = arith.muli %add3A_4, %mul3A_10 : i32
    %add3A_12 = arith.constant 8 : i32
    %add3A_13 = arith.addi %mul3A_11, %add3A_12 : i32
    %select_n3A_14 = arith.select %lt3A_8, %mul3A_9, %add3A_13 : i32
    %mul3A_15 = arith.constant 1 : i32
    %mul3A_16 = arith.muli %mul3A_15, %select_n3A : i32
    %mul3A_17 = arith.constant 8 : i32
    %mul3A_18 = arith.muli %mul3A_16, %mul3A_17 : i32
    "tpu.region"() ({
      %run_scoped3A = memref.alloca() : memref<2x1x128xi32, #tpu.memory_space<vmem>>
      %run_scoped3A_19 = tpu.sem_alloc : memref<2x!tpu.dma_semaphore, #tpu.memory_space<semaphore_mem>>
      %run_scoped3A_20 = memref.alloca() : memref<2x128x128xf32, #tpu.memory_space<vmem>>
      %run_scoped3A_21 = tpu.sem_alloc : memref<2x!tpu.dma_semaphore, #tpu.memory_space<semaphore_mem>>
      %gt3A = arith.constant 0 : i32
      %gt3A_22 = arith.cmpi sgt, %mul3A_18, %gt3A : i32
      %convert_element_type3A = arith.extui %gt3A_22 : i1 to i32
      %cond3A = arith.constant 0 : i32
      %cond3A_23 = arith.cmpi ne, %convert_element_type3A, %cond3A : i32
      scf.if %cond3A_23 {
        %mul3A_24 = arith.constant 1 : i32
        %mul3A_25 = arith.muli %mul3A_24, %select_n3A : i32
        %mul3A_26 = arith.constant 8 : i32
        %mul3A_27 = arith.muli %mul3A_25, %mul3A_26 : i32
        %sub3A = arith.constant 1 : i32
        %sub3A_28 = arith.subi %mul3A_27, %sub3A : i32
        %eq3A = arith.constant 0 : i32
        %eq3A_29 = arith.cmpi eq, %sub3A_28, %eq3A : i32
        %add3A_30 = arith.constant 0 : i32
        %add3A_31 = arith.addi %add3A_30, %select_n3A_14 : i32
        %select_n3A_32 = arith.constant true
        %select_n3A_33 = arith.constant 0 : i32
        %select_n3A_34 = arith.constant -1 : i32
        %select_n3A_35 = arith.select %select_n3A_32, %select_n3A_34, %select_n3A_33 : i32
        %eq3A_36 = arith.constant -1 : i32
        %eq3A_37 = arith.cmpi eq, %select_n3A_35, %eq3A_36 : i32
        %select_n3A_38 = arith.constant 7 : i32
        %select_n3A_39 = arith.select %eq3A_37, %select_n3A_38, %select_n3A_35 : i32
        %select_n3A_40 = arith.constant 0 : i32
        %select_n3A_41 = arith.constant -1 : i32
        %select_n3A_42 = arith.select %eq3A_37, %select_n3A_41, %select_n3A_40 : i32
        %eq3A_43 = arith.constant -1 : i32
        %eq3A_44 = arith.cmpi eq, %select_n3A_42, %eq3A_43 : i32
        %sub3A_45 = arith.constant 1 : i32
        %sub3A_46 = arith.subi %select_n3A, %sub3A_45 : i32
        %select_n3A_47 = arith.select %eq3A_44, %sub3A_46, %select_n3A_42 : i32
        %add3A_48 = arith.addi %select_n3A_47, %select_n3A_14 : i32
        %add3A_49 = arith.constant 0 : i32
        %add3A_50 = arith.addi %select_n3A_39, %add3A_49 : i32
        %select_n3A_51 = arith.constant true
        %select_n3A_52 = arith.constant 0 : i32
        %select_n3A_53 = arith.constant 1 : i32
        %select_n3A_54 = arith.select %select_n3A_51, %select_n3A_53, %select_n3A_52 : i32
        %eq3A_55 = arith.constant 8 : i32
        %eq3A_56 = arith.cmpi eq, %select_n3A_54, %eq3A_55 : i32
        %select_n3A_57 = arith.constant 0 : i32
        %select_n3A_58 = arith.select %eq3A_56, %select_n3A_57, %select_n3A_54 : i32
        %select_n3A_59 = arith.constant 0 : i32
        %select_n3A_60 = arith.constant 1 : i32
        %select_n3A_61 = arith.select %eq3A_56, %select_n3A_60, %select_n3A_59 : i32
        %eq3A_62 = arith.cmpi eq, %select_n3A_61, %select_n3A : i32
        %select_n3A_63 = arith.constant 0 : i32
        %select_n3A_64 = arith.select %eq3A_62, %select_n3A_63, %select_n3A_61 : i32
        %add3A_65 = arith.addi %select_n3A_64, %select_n3A_14 : i32
        %add3A_66 = arith.constant 0 : i32
        %add3A_67 = arith.addi %select_n3A_58, %add3A_66 : i32
        %add3A_68 = arith.constant 1 : i32
        %add3A_69 = arith.addi %select_n3A_58, %add3A_68 : i32
        %select_n3A_70 = arith.constant true
        %select_n3A_71 = arith.select %select_n3A_70, %add3A_69, %select_n3A_58 : i32
        %eq3A_72 = arith.constant 8 : i32
        %eq3A_73 = arith.cmpi eq, %select_n3A_71, %eq3A_72 : i32
        %select_n3A_74 = arith.constant 0 : i32
        %select_n3A_75 = arith.select %eq3A_73, %select_n3A_74, %select_n3A_71 : i32
        %add3A_76 = arith.constant 1 : i32
        %add3A_77 = arith.addi %select_n3A_64, %add3A_76 : i32
        %select_n3A_78 = arith.select %eq3A_73, %add3A_77, %select_n3A_64 : i32
        %eq3A_79 = arith.cmpi eq, %select_n3A_78, %select_n3A : i32
        %select_n3A_80 = arith.constant 0 : i32
        %select_n3A_81 = arith.select %eq3A_79, %select_n3A_80, %select_n3A_78 : i32
        %add3A_82 = arith.addi %select_n3A_81, %select_n3A_14 : i32
        %add3A_83 = arith.constant 0 : i32
        %add3A_84 = arith.addi %select_n3A_75, %add3A_83 : i32
        "tpu.trace_start"() <{level = 10 : i32, message = "ep_initialize_0"}> : () -> ()
        %rem3A = arith.constant 0 : i32
        %rem3A_85 = arith.constant 2 : i32
        %rem3A_86 = arith.remui %rem3A, %rem3A_85 : i32
        %mul3A_87 = arith.constant 1 : i32
        %mul3A_88 = arith.muli %mul3A_87, %add3A_31 : i32
        %dma_start3A = arith.constant 0 : i32
        %dma_start3A_89 = arith.constant 0 : i32
        %dma_start3A_90 = tpu.memref_slice %run_scoped3A[%rem3A_86, %dma_start3A, %dma_start3A_89] : memref<2x1x128xi32, #tpu.memory_space<vmem>> -> memref<1x1x128xi32, #tpu.memory_space<vmem>>
        %dma_start3A_91 = tpu.memref_squeeze %dma_start3A_90 : memref<1x1x128xi32, #tpu.memory_space<vmem>> -> memref<1x128xi32, #tpu.memory_space<vmem>>
        %dma_start3A_92 = arith.constant 0 : i32
        %dma_start3A_93 = tpu.memref_slice %arg3[%mul3A_88, %dma_start3A_92] : memref<200x1024xi32, #tpu.memory_space<hbm>> -> memref<1x128xi32, #tpu.memory_space<hbm>>
        %dma_start3A_94 = tpu.memref_slice %run_scoped3A_19[%rem3A_86] : memref<2x!tpu.dma_semaphore, #tpu.memory_space<semaphore_mem>> -> memref<1x!tpu.dma_semaphore, #tpu.memory_space<semaphore_mem>>
        %dma_start3A_95 = tpu.memref_squeeze %dma_start3A_94 : memref<1x!tpu.dma_semaphore, #tpu.memory_space<semaphore_mem>> -> memref<!tpu.dma_semaphore, #tpu.memory_space<semaphore_mem>>
        %dma_start3A_96 = arith.constant 0 : i32
        %dma_start3A_97 = arith.constant 0 : i32
        %dma_start3A_98 = tpu.memref_slice %run_scoped3A[%rem3A_86, %dma_start3A_96, %dma_start3A_97] : memref<2x1x128xi32, #tpu.memory_space<vmem>> -> memref<1x1x128xi32, #tpu.memory_space<vmem>>
        %dma_start3A_99 = tpu.memref_squeeze %dma_start3A_98 : memref<1x1x128xi32, #tpu.memory_space<vmem>> -> memref<1x128xi32, #tpu.memory_space<vmem>>
        %dma_start3A_100 = arith.constant 0 : i32
        %dma_start3A_101 = tpu.memref_slice %arg3[%mul3A_88, %dma_start3A_100] : memref<200x1024xi32, #tpu.memory_space<hbm>> -> memref<1x128xi32, #tpu.memory_space<hbm>>
        tpu.enqueue_dma source(%dma_start3A_101 : memref<1x128xi32, #tpu.memory_space<hbm>>) target(%dma_start3A_99 : memref<1x128xi32, #tpu.memory_space<vmem>>) target_semaphore(%dma_start3A_95 : memref<!tpu.dma_semaphore, #tpu.memory_space<semaphore_mem>>)
        %add3A_102 = arith.constant 0 : i32
        %add3A_103 = arith.constant 1 : i32
        %add3A_104 = arith.addi %add3A_102, %add3A_103 : i32
        %select_n3A_105 = arith.constant true
        %select_n3A_106 = arith.constant 0 : i32
        %select_n3A_107 = arith.select %select_n3A_105, %add3A_104, %select_n3A_106 : i32
        %while3A = arith.constant 0 : i32
        %while3A_108 = arith.constant 0 : i32
        %while3A_109 = arith.constant 0 : i32
        %while3A_110 = arith.constant 0 : i32
        %while3A_111 = arith.constant 0 : i32
        %while3A_112 = arith.constant 0 : i32
        "tpu.trace_stop"() : () -> ()
        %while3A_113 = arith.subi %mul3A_18, %while3A : i32
        %while3A_114 = arith.addi %while3A, %while3A_113 : i32
        %while3A_115 = arith.constant 1 : i32
        %while3A_116 = arith.divsi %while3A_113, %while3A_115 : i32
        %while3A_117 = arith.muli %while3A_116, %while3A_115 : i32
        %while3A_118 = arith.addi %while3A, %while3A_117 : i32
        %while3A_119 = arith.constant 1 : i32
        %while3A_120:6 = scf.for %while3A_212 = %while3A to %while3A_118 step %while3A_119 iter_args(%while3A_213 = %select_n3A_107, %while3A_214 = %while3A_108, %while3A_215 = %while3A_109, %while3A_216 = %while3A_110, %while3A_217 = %while3A_111, %while3A_218 = %while3A_112) -> (i32, i32, i32, i32, i32, i32)  : i32 {
          %mul3A_219 = arith.constant 1 : i32
          %mul3A_220 = arith.muli %mul3A_219, %select_n3A : i32
          %mul3A_221 = arith.constant 8 : i32
          %mul3A_222 = arith.muli %mul3A_220, %mul3A_221 : i32
          %eq3A_223 = arith.constant 0 : i32
          %eq3A_224 = arith.cmpi eq, %while3A_212, %eq3A_223 : i32
          %sub3A_225 = arith.constant 1 : i32
          %sub3A_226 = arith.subi %mul3A_222, %sub3A_225 : i32
          %eq3A_227 = arith.cmpi eq, %while3A_212, %sub3A_226 : i32
          %add3A_228 = arith.addi %while3A_217, %select_n3A_14 : i32
          %add3A_229 = arith.constant 0 : i32
          %add3A_230 = arith.addi %while3A_218, %add3A_229 : i32
          %sub3A_231 = arith.constant 1 : i32
          %sub3A_232 = arith.subi %while3A_218, %sub3A_231 : i32
          %select_n3A_233 = arith.constant true
          %select_n3A_234 = arith.select %select_n3A_233, %sub3A_232, %while3A_218 : i32
          %eq3A_235 = arith.constant -1 : i32
          %eq3A_236 = arith.cmpi eq, %select_n3A_234, %eq3A_235 : i32
          %select_n3A_237 = arith.constant 7 : i32
          %select_n3A_238 = arith.select %eq3A_236, %select_n3A_237, %select_n3A_234 : i32
          %sub3A_239 = arith.constant 1 : i32
          %sub3A_240 = arith.subi %while3A_217, %sub3A_239 : i32
          %select_n3A_241 = arith.select %eq3A_236, %sub3A_240, %while3A_217 : i32
          %eq3A_242 = arith.constant -1 : i32
          %eq3A_243 = arith.cmpi eq, %select_n3A_241, %eq3A_242 : i32
          %sub3A_244 = arith.constant 1 : i32
          %sub3A_245 = arith.subi %select_n3A, %sub3A_244 : i32
          %select_n3A_246 = arith.select %eq3A_243, %sub3A_245, %select_n3A_241 : i32
          %add3A_247 = arith.addi %select_n3A_246, %select_n3A_14 : i32
          %add3A_248 = arith.constant 0 : i32
          %add3A_249 = arith.addi %select_n3A_238, %add3A_248 : i32
          %add3A_250 = arith.constant 1 : i32
          %add3A_251 = arith.addi %while3A_218, %add3A_250 : i32
          %select_n3A_252 = arith.constant true
          %select_n3A_253 = arith.select %select_n3A_252, %add3A_251, %while3A_218 : i32
          %eq3A_254 = arith.constant 8 : i32
          %eq3A_255 = arith.cmpi eq, %select_n3A_253, %eq3A_254 : i32
          %select_n3A_256 = arith.constant 0 : i32
          %select_n3A_257 = arith.select %eq3A_255, %select_n3A_256, %select_n3A_253 : i32
          %add3A_258 = arith.constant 1 : i32
          %add3A_259 = arith.addi %while3A_217, %add3A_258 : i32
          %select_n3A_260 = arith.select %eq3A_255, %add3A_259, %while3A_217 : i32
          %eq3A_261 = arith.cmpi eq, %select_n3A_260, %select_n3A : i32
          %select_n3A_262 = arith.constant 0 : i32
          %select_n3A_263 = arith.select %eq3A_261, %select_n3A_262, %select_n3A_260 : i32
          %add3A_264 = arith.addi %select_n3A_263, %select_n3A_14 : i32
          %add3A_265 = arith.constant 0 : i32
          %add3A_266 = arith.addi %select_n3A_257, %add3A_265 : i32
          %add3A_267 = arith.constant 1 : i32
          %add3A_268 = arith.addi %select_n3A_257, %add3A_267 : i32
          %select_n3A_269 = arith.constant true
          %select_n3A_270 = arith.select %select_n3A_269, %add3A_268, %select_n3A_257 : i32
          %eq3A_271 = arith.constant 8 : i32
          %eq3A_272 = arith.cmpi eq, %select_n3A_270, %eq3A_271 : i32
          %select_n3A_273 = arith.constant 0 : i32
          %select_n3A_274 = arith.select %eq3A_272, %select_n3A_273, %select_n3A_270 : i32
          %add3A_275 = arith.constant 1 : i32
          %add3A_276 = arith.addi %select_n3A_263, %add3A_275 : i32
          %select_n3A_277 = arith.select %eq3A_272, %add3A_276, %select_n3A_263 : i32
          %eq3A_278 = arith.cmpi eq, %select_n3A_277, %select_n3A : i32
          %select_n3A_279 = arith.constant 0 : i32
          %select_n3A_280 = arith.select %eq3A_278, %select_n3A_279, %select_n3A_277 : i32
          %add3A_281 = arith.addi %select_n3A_280, %select_n3A_14 : i32
          %add3A_282 = arith.constant 0 : i32
          %add3A_283 = arith.addi %select_n3A_274, %add3A_282 : i32
          %ne3A = arith.cmpi ne, %add3A_228, %add3A_264 : i32
          %ne3A_284 = arith.cmpi ne, %add3A_230, %add3A_266 : i32
          %or3A = arith.constant false
          %or3A_285 = arith.ori %or3A, %ne3A : i1
          %or3A_286 = arith.ori %or3A_285, %ne3A_284 : i1
          %sub3A_287 = arith.constant 2 : i32
          %sub3A_288 = arith.subi %mul3A_222, %sub3A_287 : i32
          %add3A_289 = arith.constant 1 : i32
          %add3A_290 = arith.addi %sub3A_288, %add3A_289 : i32
          %ge3A = arith.cmpi sge, %while3A_212, %add3A_290 : i32
          %not3A = arith.constant true
          %not3A_291 = arith.xori %ge3A, %not3A : i1
          %and3A = arith.andi %or3A_286, %not3A_291 : i1
          %convert_element_type3A_292 = arith.extui %and3A : i1 to i32
          %cond3A_293 = arith.constant 0 : i32
          %cond3A_294 = arith.cmpi ne, %convert_element_type3A_292, %cond3A_293 : i32
          scf.if %cond3A_294 {
            "tpu.trace_start"() <{level = 10 : i32, message = "ep_copy_in"}> : () -> ()
            %rem3A_437 = arith.constant 2 : i32
            %rem3A_438 = arith.remui %while3A_213, %rem3A_437 : i32
            %mul3A_439 = arith.constant 1 : i32
            %mul3A_440 = arith.muli %mul3A_439, %add3A_264 : i32
            %mul3A_441 = arith.constant 128 : i32
            %mul3A_442 = arith.muli %mul3A_441, %add3A_266 : i32
            %dma_start3A_443 = arith.constant 0 : i32
            %dma_start3A_444 = arith.constant 0 : i32
            %dma_start3A_445 = tpu.memref_slice %run_scoped3A[%rem3A_438, %dma_start3A_443, %dma_start3A_444] : memref<2x1x128xi32, #tpu.memory_space<vmem>> -> memref<1x1x128xi32, #tpu.memory_space<vmem>>
            %dma_start3A_446 = tpu.memref_squeeze %dma_start3A_445 : memref<1x1x128xi32, #tpu.memory_space<vmem>> -> memref<1x128xi32, #tpu.memory_space<vmem>>
            %dma_start3A_447 = tpu.memref_slice %arg3[%mul3A_440, %mul3A_442] : memref<200x1024xi32, #tpu.memory_space<hbm>> -> memref<1x128xi32, #tpu.memory_space<hbm>>
            %dma_start3A_448 = tpu.memref_slice %run_scoped3A_19[%rem3A_438] : memref<2x!tpu.dma_semaphore, #tpu.memory_space<semaphore_mem>> -> memref<1x!tpu.dma_semaphore, #tpu.memory_space<semaphore_mem>>
            %dma_start3A_449 = tpu.memref_squeeze %dma_start3A_448 : memref<1x!tpu.dma_semaphore, #tpu.memory_space<semaphore_mem>> -> memref<!tpu.dma_semaphore, #tpu.memory_space<semaphore_mem>>
            %dma_start3A_450 = arith.constant 0 : i32
            %dma_start3A_451 = arith.constant 0 : i32
            %dma_start3A_452 = tpu.memref_slice %run_scoped3A[%rem3A_438, %dma_start3A_450, %dma_start3A_451] : memref<2x1x128xi32, #tpu.memory_space<vmem>> -> memref<1x1x128xi32, #tpu.memory_space<vmem>>
            %dma_start3A_453 = tpu.memref_squeeze %dma_start3A_452 : memref<1x1x128xi32, #tpu.memory_space<vmem>> -> memref<1x128xi32, #tpu.memory_space<vmem>>
            %dma_start3A_454 = tpu.memref_slice %arg3[%mul3A_440, %mul3A_442] : memref<200x1024xi32, #tpu.memory_space<hbm>> -> memref<1x128xi32, #tpu.memory_space<hbm>>
            tpu.enqueue_dma source(%dma_start3A_454 : memref<1x128xi32, #tpu.memory_space<hbm>>) target(%dma_start3A_453 : memref<1x128xi32, #tpu.memory_space<vmem>>) target_semaphore(%dma_start3A_449 : memref<!tpu.dma_semaphore, #tpu.memory_space<semaphore_mem>>)
            "tpu.trace_stop"() : () -> ()
          } else {
          }
          %and3A_295 = arith.constant true
          %and3A_296 = arith.andi %and3A, %and3A_295 : i1
          %add3A_297 = arith.constant 1 : i32
          %add3A_298 = arith.addi %while3A_213, %add3A_297 : i32
          %select_n3A_299 = arith.select %and3A_296, %add3A_298, %while3A_213 : i32
          %mul3A_300 = arith.constant 8 : i32
          %mul3A_301 = arith.muli %add3A_228, %mul3A_300 : i32
          %add3A_302 = arith.addi %mul3A_301, %add3A_230 : i32
          %mul3A_303 = arith.constant 8 : i32
          %mul3A_304 = arith.muli %add3A_264, %mul3A_303 : i32
          %add3A_305 = arith.addi %mul3A_304, %add3A_266 : i32
          %ne3A_306 = arith.cmpi ne, %add3A_302, %add3A_305 : i32
          %or3A_307 = arith.constant false
          %or3A_308 = arith.ori %or3A_307, %ne3A_306 : i1
          %or3A_309 = arith.constant false
          %or3A_310 = arith.ori %or3A_308, %or3A_309 : i1
          %sub3A_311 = arith.constant 2 : i32
          %sub3A_312 = arith.subi %mul3A_222, %sub3A_311 : i32
          %add3A_313 = arith.constant 1 : i32
          %add3A_314 = arith.addi %sub3A_312, %add3A_313 : i32
          %ge3A_315 = arith.cmpi sge, %while3A_212, %add3A_314 : i32
          %not3A_316 = arith.constant true
          %not3A_317 = arith.xori %ge3A_315, %not3A_316 : i1
          %and3A_318 = arith.andi %or3A_310, %not3A_317 : i1
          %ne3A_319 = arith.cmpi ne, %add3A_228, %add3A_247 : i32
          %ne3A_320 = arith.cmpi ne, %add3A_230, %add3A_249 : i32
          %or3A_321 = arith.constant false
          %or3A_322 = arith.ori %or3A_321, %ne3A_319 : i1
          %or3A_323 = arith.ori %or3A_322, %ne3A_320 : i1
          %or3A_324 = arith.ori %or3A_323, %eq3A_224 : i1
          %convert_element_type3A_325 = arith.extui %or3A_324 : i1 to i32
          %cond3A_326 = arith.constant 0 : i32
          %cond3A_327 = arith.cmpi ne, %convert_element_type3A_325, %cond3A_326 : i32
          scf.if %cond3A_327 {
            "tpu.trace_start"() <{level = 10 : i32, message = "ep_wait_in"}> : () -> ()
            %mul3A_437 = arith.constant 1 : i32
            %mul3A_438 = arith.muli %mul3A_437, %add3A_228 : i32
            %mul3A_439 = arith.constant 128 : i32
            %mul3A_440 = arith.muli %mul3A_439, %add3A_230 : i32
            %rem3A_441 = arith.constant 2 : i32
            %rem3A_442 = arith.remui %while3A_214, %rem3A_441 : i32
            %dma_wait3A = arith.constant 0 : i32
            %dma_wait3A_443 = arith.constant 0 : i32
            %dma_wait3A_444 = tpu.memref_slice %run_scoped3A[%rem3A_442, %dma_wait3A, %dma_wait3A_443] : memref<2x1x128xi32, #tpu.memory_space<vmem>> -> memref<1x1x128xi32, #tpu.memory_space<vmem>>
            %dma_wait3A_445 = tpu.memref_squeeze %dma_wait3A_444 : memref<1x1x128xi32, #tpu.memory_space<vmem>> -> memref<1x128xi32, #tpu.memory_space<vmem>>
            %dma_wait3A_446 = tpu.memref_slice %arg3[%mul3A_438, %mul3A_440] : memref<200x1024xi32, #tpu.memory_space<hbm>> -> memref<1x128xi32, #tpu.memory_space<hbm>>
            %dma_wait3A_447 = tpu.memref_slice %run_scoped3A_19[%rem3A_442] : memref<2x!tpu.dma_semaphore, #tpu.memory_space<semaphore_mem>> -> memref<1x!tpu.dma_semaphore, #tpu.memory_space<semaphore_mem>>
            %dma_wait3A_448 = tpu.memref_squeeze %dma_wait3A_447 : memref<1x!tpu.dma_semaphore, #tpu.memory_space<semaphore_mem>> -> memref<!tpu.dma_semaphore, #tpu.memory_space<semaphore_mem>>
            %dma_wait3A_449 = arith.constant 0 : i32
            %dma_wait3A_450 = arith.constant 0 : i32
            %dma_wait3A_451 = tpu.memref_slice %run_scoped3A[%rem3A_442, %dma_wait3A_449, %dma_wait3A_450] : memref<2x1x128xi32, #tpu.memory_space<vmem>> -> memref<1x1x128xi32, #tpu.memory_space<vmem>>
            %dma_wait3A_452 = tpu.memref_squeeze %dma_wait3A_451 : memref<1x1x128xi32, #tpu.memory_space<vmem>> -> memref<1x128xi32, #tpu.memory_space<vmem>>
            %dma_wait3A_453 = tpu.memref_slice %arg3[%mul3A_438, %mul3A_440] : memref<200x1024xi32, #tpu.memory_space<hbm>> -> memref<1x128xi32, #tpu.memory_space<hbm>>
            tpu.wait_dma2 semaphore(%dma_wait3A_448 : memref<!tpu.dma_semaphore, #tpu.memory_space<semaphore_mem>>) src(%dma_wait3A_453 : memref<1x128xi32, #tpu.memory_space<hbm>>) dst(%dma_wait3A_452 : memref<1x128xi32, #tpu.memory_space<vmem>>)
            "tpu.trace_stop"() : () -> ()
          } else {
          }
          %mul3A_328 = arith.constant 8 : i32
          %mul3A_329 = arith.muli %add3A_228, %mul3A_328 : i32
          %add3A_330 = arith.addi %mul3A_329, %add3A_230 : i32
          %mul3A_331 = arith.constant 8 : i32
          %mul3A_332 = arith.muli %add3A_247, %mul3A_331 : i32
          %add3A_333 = arith.addi %mul3A_332, %add3A_249 : i32
          %ne3A_334 = arith.cmpi ne, %add3A_330, %add3A_333 : i32
          %or3A_335 = arith.constant false
          %or3A_336 = arith.ori %or3A_335, %ne3A_334 : i1
          %or3A_337 = arith.constant false
          %or3A_338 = arith.ori %or3A_336, %or3A_337 : i1
          %or3A_339 = arith.ori %or3A_338, %eq3A_224 : i1
          %convert_element_type3A_340 = arith.extui %or3A_339 : i1 to i32
          %cond3A_341 = arith.constant 0 : i32
          %cond3A_342 = arith.cmpi ne, %convert_element_type3A_340, %cond3A_341 : i32
          scf.if %cond3A_342 {
          } else {
          }
          %rem3A_343 = arith.constant 2 : i32
          %rem3A_344 = arith.remui %while3A_214, %rem3A_343 : i32
          %rem3A_345 = arith.constant 2 : i32
          %rem3A_346 = arith.remui %while3A_215, %rem3A_345 : i32
          %run_scoped3A_347 = arith.constant 0 : i32
          "tpu.trace_start"() <{level = 10 : i32, message = "ep_run_kernel"}> : () -> ()
          "tpu.region"() ({
            %run_scoped3A_437 = tpu.sem_alloc : memref<!tpu.dma_semaphore, #tpu.memory_space<semaphore_mem>>
            %dma_start3A_438 = arith.constant 0 : i32
            %dma_start3A_439 = arith.constant 0 : i32
            %dma_start3A_440 = tpu.memref_slice %run_scoped3A_20[%rem3A_346, %dma_start3A_438, %dma_start3A_439] : memref<2x128x128xf32, #tpu.memory_space<vmem>> -> memref<1x128x128xf32, #tpu.memory_space<vmem>>
            %dma_start3A_441 = tpu.memref_squeeze %dma_start3A_440 : memref<1x128x128xf32, #tpu.memory_space<vmem>> -> memref<128x128xf32, #tpu.memory_space<vmem>>
            %dma_start3A_442 = arith.constant 0 : i32
            %dma_start3A_443 = arith.constant 0 : i32
            %dma_start3A_444 = tpu.memref_slice %run_scoped3A[%rem3A_344, %dma_start3A_442, %dma_start3A_443] : memref<2x1x128xi32, #tpu.memory_space<vmem>> -> memref<1x1x128xi32, #tpu.memory_space<vmem>>
            %dma_start3A_445 = tpu.memref_squeeze %dma_start3A_444 : memref<1x1x128xi32, #tpu.memory_space<vmem>> -> memref<1x128xi32, #tpu.memory_space<vmem>>
            %dma_start3A_446 = arith.constant 0 : i32
            %dma_start3A_447 = tpu.memref_slice %dma_start3A_445[%run_scoped3A_347, %dma_start3A_446] : memref<1x128xi32, #tpu.memory_space<vmem>> -> memref<1x128xi32, #tpu.memory_space<vmem>>
            %dma_start3A_448 = tpu.memref_squeeze %dma_start3A_447 : memref<1x128xi32, #tpu.memory_space<vmem>> -> memref<128xi32, #tpu.memory_space<vmem>>
            %dma_start3A_449 = arith.constant 0 : i32
            %dma_start3A_450 = arith.constant 0 : i32
            %dma_start3A_451 = tpu.memref_slice %arg2[%dma_start3A_449, %dma_start3A_450] : memref<501760x128xf32, #tpu.memory_space<hbm>> -> memref<501760x128xf32, #tpu.memory_space<hbm>>
            tpu.enqueue_indirect_dma source(%dma_start3A_451 : memref<501760x128xf32, #tpu.memory_space<hbm>>) target(%dma_start3A_441 : memref<128x128xf32, #tpu.memory_space<vmem>>) offsets(%dma_start3A_448 : memref<128xi32, #tpu.memory_space<vmem>>) semaphore(%run_scoped3A_437 : memref<!tpu.dma_semaphore, #tpu.memory_space<semaphore_mem>>)
            %dma_wait3A = arith.constant 0 : i32
            %dma_wait3A_452 = arith.constant 0 : i32
            %dma_wait3A_453 = tpu.memref_slice %run_scoped3A_20[%rem3A_346, %dma_wait3A, %dma_wait3A_452] : memref<2x128x128xf32, #tpu.memory_space<vmem>> -> memref<1x128x128xf32, #tpu.memory_space<vmem>>
            %dma_wait3A_454 = tpu.memref_squeeze %dma_wait3A_453 : memref<1x128x128xf32, #tpu.memory_space<vmem>> -> memref<128x128xf32, #tpu.memory_space<vmem>>
            %dma_wait3A_455 = arith.constant 0 : i32
            %dma_wait3A_456 = arith.constant 0 : i32
            %dma_wait3A_457 = tpu.memref_slice %run_scoped3A[%rem3A_344, %dma_wait3A_455, %dma_wait3A_456] : memref<2x1x128xi32, #tpu.memory_space<vmem>> -> memref<1x1x128xi32, #tpu.memory_space<vmem>>
            %dma_wait3A_458 = tpu.memref_squeeze %dma_wait3A_457 : memref<1x1x128xi32, #tpu.memory_space<vmem>> -> memref<1x128xi32, #tpu.memory_space<vmem>>
            %dma_wait3A_459 = arith.constant 0 : i32
            %dma_wait3A_460 = tpu.memref_slice %dma_wait3A_458[%run_scoped3A_347, %dma_wait3A_459] : memref<1x128xi32, #tpu.memory_space<vmem>> -> memref<1x128xi32, #tpu.memory_space<vmem>>
            %dma_wait3A_461 = tpu.memref_squeeze %dma_wait3A_460 : memref<1x128xi32, #tpu.memory_space<vmem>> -> memref<128xi32, #tpu.memory_space<vmem>>
            %dma_wait3A_462 = arith.constant 0 : i32
            %dma_wait3A_463 = arith.constant 0 : i32
            %dma_wait3A_464 = tpu.memref_slice %arg2[%dma_wait3A_462, %dma_wait3A_463] : memref<501760x128xf32, #tpu.memory_space<hbm>> -> memref<501760x128xf32, #tpu.memory_space<hbm>>
            tpu.wait_indirect_dma semaphore(%run_scoped3A_437 : memref<!tpu.dma_semaphore, #tpu.memory_space<semaphore_mem>>) src(%dma_wait3A_464 : memref<501760x128xf32, #tpu.memory_space<hbm>>) dst(%dma_wait3A_454 : memref<128x128xf32, #tpu.memory_space<vmem>>)
            tpu.yield
          }) : () -> ()
          "tpu.trace_stop"() : () -> ()
          %ne3A_348 = arith.cmpi ne, %add3A_228, %add3A_264 : i32
          %ne3A_349 = arith.cmpi ne, %add3A_230, %add3A_266 : i32
          %or3A_350 = arith.constant false
          %or3A_351 = arith.ori %or3A_350, %ne3A_348 : i1
          %or3A_352 = arith.ori %or3A_351, %ne3A_349 : i1
          %or3A_353 = arith.ori %or3A_352, %eq3A_227 : i1
          %convert_element_type3A_354 = arith.extui %or3A_353 : i1 to i32
          %cond3A_355 = arith.constant 0 : i32
          %cond3A_356 = arith.cmpi ne, %convert_element_type3A_354, %cond3A_355 : i32
          scf.if %cond3A_356 {
          } else {
          }
          %and3A_357 = arith.constant false
          %and3A_358 = arith.andi %or3A_353, %and3A_357 : i1
          %mul3A_359 = arith.constant 8 : i32
          %mul3A_360 = arith.muli %add3A_228, %mul3A_359 : i32
          %add3A_361 = arith.addi %mul3A_360, %add3A_230 : i32
          %mul3A_362 = arith.constant 8 : i32
          %mul3A_363 = arith.muli %add3A_264, %mul3A_362 : i32
          %add3A_364 = arith.addi %mul3A_363, %add3A_266 : i32
          %ne3A_365 = arith.cmpi ne, %add3A_361, %add3A_364 : i32
          %or3A_366 = arith.constant false
          %or3A_367 = arith.ori %or3A_366, %ne3A_365 : i1
          %or3A_368 = arith.constant false
          %or3A_369 = arith.ori %or3A_367, %or3A_368 : i1
          %or3A_370 = arith.ori %or3A_369, %eq3A_227 : i1
          %convert_element_type3A_371 = arith.extui %or3A_370 : i1 to i32
          %cond3A_372 = arith.constant 0 : i32
          %cond3A_373 = arith.cmpi ne, %convert_element_type3A_371, %cond3A_372 : i32
          scf.if %cond3A_373 {
            "tpu.trace_start"() <{level = 10 : i32, message = "ep_copy_out"}> : () -> ()
            %rem3A_437 = arith.constant 2 : i32
            %rem3A_438 = arith.remui %while3A_215, %rem3A_437 : i32
            %mul3A_439 = arith.constant 8 : i32
            %mul3A_440 = arith.muli %add3A_228, %mul3A_439 : i32
            %add3A_441 = arith.addi %mul3A_440, %add3A_230 : i32
            %mul3A_442 = arith.constant 128 : i32
            %mul3A_443 = arith.muli %mul3A_442, %add3A_441 : i32
            %dma_start3A_444 = arith.constant 0 : i32
            %dma_start3A_445 = arith.constant 0 : i32
            %dma_start3A_446 = tpu.memref_slice %run_scoped3A_20[%rem3A_438, %dma_start3A_444, %dma_start3A_445] : memref<2x128x128xf32, #tpu.memory_space<vmem>> -> memref<1x128x128xf32, #tpu.memory_space<vmem>>
            %dma_start3A_447 = tpu.memref_squeeze %dma_start3A_446 : memref<1x128x128xf32, #tpu.memory_space<vmem>> -> memref<128x128xf32, #tpu.memory_space<vmem>>
            %dma_start3A_448 = arith.constant 0 : i32
            %dma_start3A_449 = tpu.memref_slice %arg4[%mul3A_443, %dma_start3A_448] : memref<204800x128xf32, #tpu.memory_space<hbm>> -> memref<128x128xf32, #tpu.memory_space<hbm>>
            %dma_start3A_450 = tpu.memref_slice %run_scoped3A_21[%rem3A_438] : memref<2x!tpu.dma_semaphore, #tpu.memory_space<semaphore_mem>> -> memref<1x!tpu.dma_semaphore, #tpu.memory_space<semaphore_mem>>
            %dma_start3A_451 = tpu.memref_squeeze %dma_start3A_450 : memref<1x!tpu.dma_semaphore, #tpu.memory_space<semaphore_mem>> -> memref<!tpu.dma_semaphore, #tpu.memory_space<semaphore_mem>>
            %dma_start3A_452 = arith.constant 0 : i32
            %dma_start3A_453 = tpu.memref_slice %arg4[%mul3A_443, %dma_start3A_452] : memref<204800x128xf32, #tpu.memory_space<hbm>> -> memref<128x128xf32, #tpu.memory_space<hbm>>
            %dma_start3A_454 = arith.constant 0 : i32
            %dma_start3A_455 = arith.constant 0 : i32
            %dma_start3A_456 = tpu.memref_slice %run_scoped3A_20[%rem3A_438, %dma_start3A_454, %dma_start3A_455] : memref<2x128x128xf32, #tpu.memory_space<vmem>> -> memref<1x128x128xf32, #tpu.memory_space<vmem>>
            %dma_start3A_457 = tpu.memref_squeeze %dma_start3A_456 : memref<1x128x128xf32, #tpu.memory_space<vmem>> -> memref<128x128xf32, #tpu.memory_space<vmem>>
            tpu.enqueue_dma source(%dma_start3A_457 : memref<128x128xf32, #tpu.memory_space<vmem>>) target(%dma_start3A_453 : memref<128x128xf32, #tpu.memory_space<hbm>>) target_semaphore(%dma_start3A_451 : memref<!tpu.dma_semaphore, #tpu.memory_space<semaphore_mem>>)
            "tpu.trace_stop"() : () -> ()
          } else {
          }
          %and3A_374 = arith.constant true
          %and3A_375 = arith.andi %or3A_370, %and3A_374 : i1
          %add3A_376 = arith.constant 1 : i32
          %add3A_377 = arith.addi %while3A_215, %add3A_376 : i32
          %select_n3A_378 = arith.select %and3A_375, %add3A_377, %while3A_215 : i32
          %ne3A_379 = arith.cmpi ne, %add3A_228, %add3A_247 : i32
          %ne3A_380 = arith.cmpi ne, %add3A_230, %add3A_249 : i32
          %or3A_381 = arith.constant false
          %or3A_382 = arith.ori %or3A_381, %ne3A_379 : i1
          %or3A_383 = arith.ori %or3A_382, %ne3A_380 : i1
          %not3A_384 = arith.constant true
          %not3A_385 = arith.xori %eq3A_224, %not3A_384 : i1
          %and3A_386 = arith.andi %or3A_383, %not3A_385 : i1
          %convert_element_type3A_387 = arith.extui %and3A_386 : i1 to i32
          %cond3A_388 = arith.constant 0 : i32
          %cond3A_389 = arith.cmpi ne, %convert_element_type3A_387, %cond3A_388 : i32
          scf.if %cond3A_389 {
          } else {
          }
          %and3A_390 = arith.constant false
          %and3A_391 = arith.andi %and3A_386, %and3A_390 : i1
          %mul3A_392 = arith.constant 8 : i32
          %mul3A_393 = arith.muli %add3A_228, %mul3A_392 : i32
          %add3A_394 = arith.addi %mul3A_393, %add3A_230 : i32
          %mul3A_395 = arith.constant 8 : i32
          %mul3A_396 = arith.muli %add3A_247, %mul3A_395 : i32
          %add3A_397 = arith.addi %mul3A_396, %add3A_249 : i32
          %ne3A_398 = arith.cmpi ne, %add3A_394, %add3A_397 : i32
          %or3A_399 = arith.constant false
          %or3A_400 = arith.ori %or3A_399, %ne3A_398 : i1
          %or3A_401 = arith.constant false
          %or3A_402 = arith.ori %or3A_400, %or3A_401 : i1
          %not3A_403 = arith.constant true
          %not3A_404 = arith.xori %eq3A_224, %not3A_403 : i1
          %and3A_405 = arith.andi %or3A_402, %not3A_404 : i1
          %convert_element_type3A_406 = arith.extui %and3A_405 : i1 to i32
          %cond3A_407 = arith.constant 0 : i32
          %cond3A_408 = arith.cmpi ne, %convert_element_type3A_406, %cond3A_407 : i32
          scf.if %cond3A_408 {
            "tpu.trace_start"() <{level = 10 : i32, message = "ep_wait_out"}> : () -> ()
            %rem3A_437 = arith.constant 2 : i32
            %rem3A_438 = arith.remui %while3A_216, %rem3A_437 : i32
            %mul3A_439 = arith.constant 8 : i32
            %mul3A_440 = arith.muli %add3A_247, %mul3A_439 : i32
            %add3A_441 = arith.addi %mul3A_440, %add3A_249 : i32
            %mul3A_442 = arith.constant 128 : i32
            %mul3A_443 = arith.muli %mul3A_442, %add3A_441 : i32
            %dma_wait3A = arith.constant 0 : i32
            %dma_wait3A_444 = arith.constant 0 : i32
            %dma_wait3A_445 = tpu.memref_slice %run_scoped3A_20[%rem3A_438, %dma_wait3A, %dma_wait3A_444] : memref<2x128x128xf32, #tpu.memory_space<vmem>> -> memref<1x128x128xf32, #tpu.memory_space<vmem>>
            %dma_wait3A_446 = tpu.memref_squeeze %dma_wait3A_445 : memref<1x128x128xf32, #tpu.memory_space<vmem>> -> memref<128x128xf32, #tpu.memory_space<vmem>>
            %dma_wait3A_447 = arith.constant 0 : i32
            %dma_wait3A_448 = tpu.memref_slice %arg4[%mul3A_443, %dma_wait3A_447] : memref<204800x128xf32, #tpu.memory_space<hbm>> -> memref<128x128xf32, #tpu.memory_space<hbm>>
            %dma_wait3A_449 = tpu.memref_slice %run_scoped3A_21[%rem3A_438] : memref<2x!tpu.dma_semaphore, #tpu.memory_space<semaphore_mem>> -> memref<1x!tpu.dma_semaphore, #tpu.memory_space<semaphore_mem>>
            %dma_wait3A_450 = tpu.memref_squeeze %dma_wait3A_449 : memref<1x!tpu.dma_semaphore, #tpu.memory_space<semaphore_mem>> -> memref<!tpu.dma_semaphore, #tpu.memory_space<semaphore_mem>>
            %dma_wait3A_451 = arith.constant 0 : i32
            %dma_wait3A_452 = tpu.memref_slice %arg4[%mul3A_443, %dma_wait3A_451] : memref<204800x128xf32, #tpu.memory_space<hbm>> -> memref<128x128xf32, #tpu.memory_space<hbm>>
            %dma_wait3A_453 = arith.constant 0 : i32
            %dma_wait3A_454 = arith.constant 0 : i32
            %dma_wait3A_455 = tpu.memref_slice %run_scoped3A_20[%rem3A_438, %dma_wait3A_453, %dma_wait3A_454] : memref<2x128x128xf32, #tpu.memory_space<vmem>> -> memref<1x128x128xf32, #tpu.memory_space<vmem>>
            %dma_wait3A_456 = tpu.memref_squeeze %dma_wait3A_455 : memref<1x128x128xf32, #tpu.memory_space<vmem>> -> memref<128x128xf32, #tpu.memory_space<vmem>>
            tpu.wait_dma2 semaphore(%dma_wait3A_450 : memref<!tpu.dma_semaphore, #tpu.memory_space<semaphore_mem>>) src(%dma_wait3A_456 : memref<128x128xf32, #tpu.memory_space<vmem>>) dst(%dma_wait3A_452 : memref<128x128xf32, #tpu.memory_space<hbm>>)
            "tpu.trace_stop"() : () -> ()
          } else {
          }
          %and3A_409 = arith.constant true
          %and3A_410 = arith.andi %and3A_405, %and3A_409 : i1
          %add3A_411 = arith.constant 1 : i32
          %add3A_412 = arith.addi %while3A_216, %add3A_411 : i32
          %select_n3A_413 = arith.select %and3A_410, %add3A_412, %while3A_216 : i32
          %ne3A_414 = arith.cmpi ne, %add3A_228, %add3A_264 : i32
          %ne3A_415 = arith.cmpi ne, %add3A_230, %add3A_266 : i32
          %or3A_416 = arith.constant false
          %or3A_417 = arith.ori %or3A_416, %ne3A_414 : i1
          %or3A_418 = arith.ori %or3A_417, %ne3A_415 : i1
          %or3A_419 = arith.ori %or3A_418, %eq3A_227 : i1
          %add3A_420 = arith.constant 1 : i32
          %add3A_421 = arith.addi %while3A_214, %add3A_420 : i32
          %select_n3A_422 = arith.select %or3A_419, %add3A_421, %while3A_214 : i32
          %add3A_423 = arith.constant 1 : i32
          %add3A_424 = arith.addi %while3A_218, %add3A_423 : i32
          %select_n3A_425 = arith.constant true
          %select_n3A_426 = arith.select %select_n3A_425, %add3A_424, %while3A_218 : i32
          %eq3A_427 = arith.constant 8 : i32
          %eq3A_428 = arith.cmpi eq, %select_n3A_426, %eq3A_427 : i32
          %select_n3A_429 = arith.constant 0 : i32
          %select_n3A_430 = arith.select %eq3A_428, %select_n3A_429, %select_n3A_426 : i32
          %add3A_431 = arith.constant 1 : i32
          %add3A_432 = arith.addi %while3A_217, %add3A_431 : i32
          %select_n3A_433 = arith.select %eq3A_428, %add3A_432, %while3A_217 : i32
          %eq3A_434 = arith.cmpi eq, %select_n3A_433, %select_n3A : i32
          %select_n3A_435 = arith.constant 0 : i32
          %select_n3A_436 = arith.select %eq3A_434, %select_n3A_435, %select_n3A_433 : i32
          scf.yield %select_n3A_299, %select_n3A_422, %select_n3A_378, %select_n3A_413, %select_n3A_436, %select_n3A_430 : i32, i32, i32, i32, i32, i32
        }
        %while3A_121 = arith.constant 1 : i32
        %while3A_122:6 = scf.for %while3A_212 = %while3A_118 to %while3A_114 step %while3A_121 iter_args(%while3A_213 = %while3A_120#0, %while3A_214 = %while3A_120#1, %while3A_215 = %while3A_120#2, %while3A_216 = %while3A_120#3, %while3A_217 = %while3A_120#4, %while3A_218 = %while3A_120#5) -> (i32, i32, i32, i32, i32, i32)  : i32 {
          %mul3A_219 = arith.constant 1 : i32
          %mul3A_220 = arith.muli %mul3A_219, %select_n3A : i32
          %mul3A_221 = arith.constant 8 : i32
          %mul3A_222 = arith.muli %mul3A_220, %mul3A_221 : i32
          %eq3A_223 = arith.constant 0 : i32
          %eq3A_224 = arith.cmpi eq, %while3A_212, %eq3A_223 : i32
          %sub3A_225 = arith.constant 1 : i32
          %sub3A_226 = arith.subi %mul3A_222, %sub3A_225 : i32
          %eq3A_227 = arith.cmpi eq, %while3A_212, %sub3A_226 : i32
          %add3A_228 = arith.addi %while3A_217, %select_n3A_14 : i32
          %add3A_229 = arith.constant 0 : i32
          %add3A_230 = arith.addi %while3A_218, %add3A_229 : i32
          %sub3A_231 = arith.constant 1 : i32
          %sub3A_232 = arith.subi %while3A_218, %sub3A_231 : i32
          %select_n3A_233 = arith.constant true
          %select_n3A_234 = arith.select %select_n3A_233, %sub3A_232, %while3A_218 : i32
          %eq3A_235 = arith.constant -1 : i32
          %eq3A_236 = arith.cmpi eq, %select_n3A_234, %eq3A_235 : i32
          %select_n3A_237 = arith.constant 7 : i32
          %select_n3A_238 = arith.select %eq3A_236, %select_n3A_237, %select_n3A_234 : i32
          %sub3A_239 = arith.constant 1 : i32
          %sub3A_240 = arith.subi %while3A_217, %sub3A_239 : i32
          %select_n3A_241 = arith.select %eq3A_236, %sub3A_240, %while3A_217 : i32
          %eq3A_242 = arith.constant -1 : i32
          %eq3A_243 = arith.cmpi eq, %select_n3A_241, %eq3A_242 : i32
          %sub3A_244 = arith.constant 1 : i32
          %sub3A_245 = arith.subi %select_n3A, %sub3A_244 : i32
          %select_n3A_246 = arith.select %eq3A_243, %sub3A_245, %select_n3A_241 : i32
          %add3A_247 = arith.addi %select_n3A_246, %select_n3A_14 : i32
          %add3A_248 = arith.constant 0 : i32
          %add3A_249 = arith.addi %select_n3A_238, %add3A_248 : i32
          %add3A_250 = arith.constant 1 : i32
          %add3A_251 = arith.addi %while3A_218, %add3A_250 : i32
          %select_n3A_252 = arith.constant true
          %select_n3A_253 = arith.select %select_n3A_252, %add3A_251, %while3A_218 : i32
          %eq3A_254 = arith.constant 8 : i32
          %eq3A_255 = arith.cmpi eq, %select_n3A_253, %eq3A_254 : i32
          %select_n3A_256 = arith.constant 0 : i32
          %select_n3A_257 = arith.select %eq3A_255, %select_n3A_256, %select_n3A_253 : i32
          %add3A_258 = arith.constant 1 : i32
          %add3A_259 = arith.addi %while3A_217, %add3A_258 : i32
          %select_n3A_260 = arith.select %eq3A_255, %add3A_259, %while3A_217 : i32
          %eq3A_261 = arith.cmpi eq, %select_n3A_260, %select_n3A : i32
          %select_n3A_262 = arith.constant 0 : i32
          %select_n3A_263 = arith.select %eq3A_261, %select_n3A_262, %select_n3A_260 : i32
          %add3A_264 = arith.addi %select_n3A_263, %select_n3A_14 : i32
          %add3A_265 = arith.constant 0 : i32
          %add3A_266 = arith.addi %select_n3A_257, %add3A_265 : i32
          %add3A_267 = arith.constant 1 : i32
          %add3A_268 = arith.addi %select_n3A_257, %add3A_267 : i32
          %select_n3A_269 = arith.constant true
          %select_n3A_270 = arith.select %select_n3A_269, %add3A_268, %select_n3A_257 : i32
          %eq3A_271 = arith.constant 8 : i32
          %eq3A_272 = arith.cmpi eq, %select_n3A_270, %eq3A_271 : i32
          %select_n3A_273 = arith.constant 0 : i32
          %select_n3A_274 = arith.select %eq3A_272, %select_n3A_273, %select_n3A_270 : i32
          %add3A_275 = arith.constant 1 : i32
          %add3A_276 = arith.addi %select_n3A_263, %add3A_275 : i32
          %select_n3A_277 = arith.select %eq3A_272, %add3A_276, %select_n3A_263 : i32
          %eq3A_278 = arith.cmpi eq, %select_n3A_277, %select_n3A : i32
          %select_n3A_279 = arith.constant 0 : i32
          %select_n3A_280 = arith.select %eq3A_278, %select_n3A_279, %select_n3A_277 : i32
          %add3A_281 = arith.addi %select_n3A_280, %select_n3A_14 : i32
          %add3A_282 = arith.constant 0 : i32
          %add3A_283 = arith.addi %select_n3A_274, %add3A_282 : i32
          %ne3A = arith.cmpi ne, %add3A_228, %add3A_264 : i32
          %ne3A_284 = arith.cmpi ne, %add3A_230, %add3A_266 : i32
          %or3A = arith.constant false
          %or3A_285 = arith.ori %or3A, %ne3A : i1
          %or3A_286 = arith.ori %or3A_285, %ne3A_284 : i1
          %sub3A_287 = arith.constant 2 : i32
          %sub3A_288 = arith.subi %mul3A_222, %sub3A_287 : i32
          %add3A_289 = arith.constant 1 : i32
          %add3A_290 = arith.addi %sub3A_288, %add3A_289 : i32
          %ge3A = arith.cmpi sge, %while3A_212, %add3A_290 : i32
          %not3A = arith.constant true
          %not3A_291 = arith.xori %ge3A, %not3A : i1
          %and3A = arith.andi %or3A_286, %not3A_291 : i1
          %convert_element_type3A_292 = arith.extui %and3A : i1 to i32
          %cond3A_293 = arith.constant 0 : i32
          %cond3A_294 = arith.cmpi ne, %convert_element_type3A_292, %cond3A_293 : i32
          scf.if %cond3A_294 {
            "tpu.trace_start"() <{level = 10 : i32, message = "ep_copy_in"}> : () -> ()
            %rem3A_437 = arith.constant 2 : i32
            %rem3A_438 = arith.remui %while3A_213, %rem3A_437 : i32
            %mul3A_439 = arith.constant 1 : i32
            %mul3A_440 = arith.muli %mul3A_439, %add3A_264 : i32
            %mul3A_441 = arith.constant 128 : i32
            %mul3A_442 = arith.muli %mul3A_441, %add3A_266 : i32
            %dma_start3A_443 = arith.constant 0 : i32
            %dma_start3A_444 = arith.constant 0 : i32
            %dma_start3A_445 = tpu.memref_slice %run_scoped3A[%rem3A_438, %dma_start3A_443, %dma_start3A_444] : memref<2x1x128xi32, #tpu.memory_space<vmem>> -> memref<1x1x128xi32, #tpu.memory_space<vmem>>
            %dma_start3A_446 = tpu.memref_squeeze %dma_start3A_445 : memref<1x1x128xi32, #tpu.memory_space<vmem>> -> memref<1x128xi32, #tpu.memory_space<vmem>>
            %dma_start3A_447 = tpu.memref_slice %arg3[%mul3A_440, %mul3A_442] : memref<200x1024xi32, #tpu.memory_space<hbm>> -> memref<1x128xi32, #tpu.memory_space<hbm>>
            %dma_start3A_448 = tpu.memref_slice %run_scoped3A_19[%rem3A_438] : memref<2x!tpu.dma_semaphore, #tpu.memory_space<semaphore_mem>> -> memref<1x!tpu.dma_semaphore, #tpu.memory_space<semaphore_mem>>
            %dma_start3A_449 = tpu.memref_squeeze %dma_start3A_448 : memref<1x!tpu.dma_semaphore, #tpu.memory_space<semaphore_mem>> -> memref<!tpu.dma_semaphore, #tpu.memory_space<semaphore_mem>>
            %dma_start3A_450 = arith.constant 0 : i32
            %dma_start3A_451 = arith.constant 0 : i32
            %dma_start3A_452 = tpu.memref_slice %run_scoped3A[%rem3A_438, %dma_start3A_450, %dma_start3A_451] : memref<2x1x128xi32, #tpu.memory_space<vmem>> -> memref<1x1x128xi32, #tpu.memory_space<vmem>>
            %dma_start3A_453 = tpu.memref_squeeze %dma_start3A_452 : memref<1x1x128xi32, #tpu.memory_space<vmem>> -> memref<1x128xi32, #tpu.memory_space<vmem>>
            %dma_start3A_454 = tpu.memref_slice %arg3[%mul3A_440, %mul3A_442] : memref<200x1024xi32, #tpu.memory_space<hbm>> -> memref<1x128xi32, #tpu.memory_space<hbm>>
            tpu.enqueue_dma source(%dma_start3A_454 : memref<1x128xi32, #tpu.memory_space<hbm>>) target(%dma_start3A_453 : memref<1x128xi32, #tpu.memory_space<vmem>>) target_semaphore(%dma_start3A_449 : memref<!tpu.dma_semaphore, #tpu.memory_space<semaphore_mem>>)
            "tpu.trace_stop"() : () -> ()
          } else {
          }
          %and3A_295 = arith.constant true
          %and3A_296 = arith.andi %and3A, %and3A_295 : i1
          %add3A_297 = arith.constant 1 : i32
          %add3A_298 = arith.addi %while3A_213, %add3A_297 : i32
          %select_n3A_299 = arith.select %and3A_296, %add3A_298, %while3A_213 : i32
          %mul3A_300 = arith.constant 8 : i32
          %mul3A_301 = arith.muli %add3A_228, %mul3A_300 : i32
          %add3A_302 = arith.addi %mul3A_301, %add3A_230 : i32
          %mul3A_303 = arith.constant 8 : i32
          %mul3A_304 = arith.muli %add3A_264, %mul3A_303 : i32
          %add3A_305 = arith.addi %mul3A_304, %add3A_266 : i32
          %ne3A_306 = arith.cmpi ne, %add3A_302, %add3A_305 : i32
          %or3A_307 = arith.constant false
          %or3A_308 = arith.ori %or3A_307, %ne3A_306 : i1
          %or3A_309 = arith.constant false
          %or3A_310 = arith.ori %or3A_308, %or3A_309 : i1
          %sub3A_311 = arith.constant 2 : i32
          %sub3A_312 = arith.subi %mul3A_222, %sub3A_311 : i32
          %add3A_313 = arith.constant 1 : i32
          %add3A_314 = arith.addi %sub3A_312, %add3A_313 : i32
          %ge3A_315 = arith.cmpi sge, %while3A_212, %add3A_314 : i32
          %not3A_316 = arith.constant true
          %not3A_317 = arith.xori %ge3A_315, %not3A_316 : i1
          %and3A_318 = arith.andi %or3A_310, %not3A_317 : i1
          %ne3A_319 = arith.cmpi ne, %add3A_228, %add3A_247 : i32
          %ne3A_320 = arith.cmpi ne, %add3A_230, %add3A_249 : i32
          %or3A_321 = arith.constant false
          %or3A_322 = arith.ori %or3A_321, %ne3A_319 : i1
          %or3A_323 = arith.ori %or3A_322, %ne3A_320 : i1
          %or3A_324 = arith.ori %or3A_323, %eq3A_224 : i1
          %convert_element_type3A_325 = arith.extui %or3A_324 : i1 to i32
          %cond3A_326 = arith.constant 0 : i32
          %cond3A_327 = arith.cmpi ne, %convert_element_type3A_325, %cond3A_326 : i32
          scf.if %cond3A_327 {
            "tpu.trace_start"() <{level = 10 : i32, message = "ep_wait_in"}> : () -> ()
            %mul3A_437 = arith.constant 1 : i32
            %mul3A_438 = arith.muli %mul3A_437, %add3A_228 : i32
            %mul3A_439 = arith.constant 128 : i32
            %mul3A_440 = arith.muli %mul3A_439, %add3A_230 : i32
            %rem3A_441 = arith.constant 2 : i32
            %rem3A_442 = arith.remui %while3A_214, %rem3A_441 : i32
            %dma_wait3A = arith.constant 0 : i32
            %dma_wait3A_443 = arith.constant 0 : i32
            %dma_wait3A_444 = tpu.memref_slice %run_scoped3A[%rem3A_442, %dma_wait3A, %dma_wait3A_443] : memref<2x1x128xi32, #tpu.memory_space<vmem>> -> memref<1x1x128xi32, #tpu.memory_space<vmem>>
            %dma_wait3A_445 = tpu.memref_squeeze %dma_wait3A_444 : memref<1x1x128xi32, #tpu.memory_space<vmem>> -> memref<1x128xi32, #tpu.memory_space<vmem>>
            %dma_wait3A_446 = tpu.memref_slice %arg3[%mul3A_438, %mul3A_440] : memref<200x1024xi32, #tpu.memory_space<hbm>> -> memref<1x128xi32, #tpu.memory_space<hbm>>
            %dma_wait3A_447 = tpu.memref_slice %run_scoped3A_19[%rem3A_442] : memref<2x!tpu.dma_semaphore, #tpu.memory_space<semaphore_mem>> -> memref<1x!tpu.dma_semaphore, #tpu.memory_space<semaphore_mem>>
            %dma_wait3A_448 = tpu.memref_squeeze %dma_wait3A_447 : memref<1x!tpu.dma_semaphore, #tpu.memory_space<semaphore_mem>> -> memref<!tpu.dma_semaphore, #tpu.memory_space<semaphore_mem>>
            %dma_wait3A_449 = arith.constant 0 : i32
            %dma_wait3A_450 = arith.constant 0 : i32
            %dma_wait3A_451 = tpu.memref_slice %run_scoped3A[%rem3A_442, %dma_wait3A_449, %dma_wait3A_450] : memref<2x1x128xi32, #tpu.memory_space<vmem>> -> memref<1x1x128xi32, #tpu.memory_space<vmem>>
            %dma_wait3A_452 = tpu.memref_squeeze %dma_wait3A_451 : memref<1x1x128xi32, #tpu.memory_space<vmem>> -> memref<1x128xi32, #tpu.memory_space<vmem>>
            %dma_wait3A_453 = tpu.memref_slice %arg3[%mul3A_438, %mul3A_440] : memref<200x1024xi32, #tpu.memory_space<hbm>> -> memref<1x128xi32, #tpu.memory_space<hbm>>
            tpu.wait_dma2 semaphore(%dma_wait3A_448 : memref<!tpu.dma_semaphore, #tpu.memory_space<semaphore_mem>>) src(%dma_wait3A_453 : memref<1x128xi32, #tpu.memory_space<hbm>>) dst(%dma_wait3A_452 : memref<1x128xi32, #tpu.memory_space<vmem>>)
            "tpu.trace_stop"() : () -> ()
          } else {
          }
          %mul3A_328 = arith.constant 8 : i32
          %mul3A_329 = arith.muli %add3A_228, %mul3A_328 : i32
          %add3A_330 = arith.addi %mul3A_329, %add3A_230 : i32
          %mul3A_331 = arith.constant 8 : i32
          %mul3A_332 = arith.muli %add3A_247, %mul3A_331 : i32
          %add3A_333 = arith.addi %mul3A_332, %add3A_249 : i32
          %ne3A_334 = arith.cmpi ne, %add3A_330, %add3A_333 : i32
          %or3A_335 = arith.constant false
          %or3A_336 = arith.ori %or3A_335, %ne3A_334 : i1
          %or3A_337 = arith.constant false
          %or3A_338 = arith.ori %or3A_336, %or3A_337 : i1
          %or3A_339 = arith.ori %or3A_338, %eq3A_224 : i1
          %convert_element_type3A_340 = arith.extui %or3A_339 : i1 to i32
          %cond3A_341 = arith.constant 0 : i32
          %cond3A_342 = arith.cmpi ne, %convert_element_type3A_340, %cond3A_341 : i32
          scf.if %cond3A_342 {
          } else {
          }
          %rem3A_343 = arith.constant 2 : i32
          %rem3A_344 = arith.remui %while3A_214, %rem3A_343 : i32
          %rem3A_345 = arith.constant 2 : i32
          %rem3A_346 = arith.remui %while3A_215, %rem3A_345 : i32
          %run_scoped3A_347 = arith.constant 0 : i32
          "tpu.trace_start"() <{level = 10 : i32, message = "ep_run_kernel"}> : () -> ()
          "tpu.region"() ({
            %run_scoped3A_437 = tpu.sem_alloc : memref<!tpu.dma_semaphore, #tpu.memory_space<semaphore_mem>>
            %dma_start3A_438 = arith.constant 0 : i32
            %dma_start3A_439 = arith.constant 0 : i32
            %dma_start3A_440 = tpu.memref_slice %run_scoped3A_20[%rem3A_346, %dma_start3A_438, %dma_start3A_439] : memref<2x128x128xf32, #tpu.memory_space<vmem>> -> memref<1x128x128xf32, #tpu.memory_space<vmem>>
            %dma_start3A_441 = tpu.memref_squeeze %dma_start3A_440 : memref<1x128x128xf32, #tpu.memory_space<vmem>> -> memref<128x128xf32, #tpu.memory_space<vmem>>
            %dma_start3A_442 = arith.constant 0 : i32
            %dma_start3A_443 = arith.constant 0 : i32
            %dma_start3A_444 = tpu.memref_slice %run_scoped3A[%rem3A_344, %dma_start3A_442, %dma_start3A_443] : memref<2x1x128xi32, #tpu.memory_space<vmem>> -> memref<1x1x128xi32, #tpu.memory_space<vmem>>
            %dma_start3A_445 = tpu.memref_squeeze %dma_start3A_444 : memref<1x1x128xi32, #tpu.memory_space<vmem>> -> memref<1x128xi32, #tpu.memory_space<vmem>>
            %dma_start3A_446 = arith.constant 0 : i32
            %dma_start3A_447 = tpu.memref_slice %dma_start3A_445[%run_scoped3A_347, %dma_start3A_446] : memref<1x128xi32, #tpu.memory_space<vmem>> -> memref<1x128xi32, #tpu.memory_space<vmem>>
            %dma_start3A_448 = tpu.memref_squeeze %dma_start3A_447 : memref<1x128xi32, #tpu.memory_space<vmem>> -> memref<128xi32, #tpu.memory_space<vmem>>
            %dma_start3A_449 = arith.constant 0 : i32
            %dma_start3A_450 = arith.constant 0 : i32
            %dma_start3A_451 = tpu.memref_slice %arg2[%dma_start3A_449, %dma_start3A_450] : memref<501760x128xf32, #tpu.memory_space<hbm>> -> memref<501760x128xf32, #tpu.memory_space<hbm>>
            tpu.enqueue_indirect_dma source(%dma_start3A_451 : memref<501760x128xf32, #tpu.memory_space<hbm>>) target(%dma_start3A_441 : memref<128x128xf32, #tpu.memory_space<vmem>>) offsets(%dma_start3A_448 : memref<128xi32, #tpu.memory_space<vmem>>) semaphore(%run_scoped3A_437 : memref<!tpu.dma_semaphore, #tpu.memory_space<semaphore_mem>>)
            %dma_wait3A = arith.constant 0 : i32
            %dma_wait3A_452 = arith.constant 0 : i32
            %dma_wait3A_453 = tpu.memref_slice %run_scoped3A_20[%rem3A_346, %dma_wait3A, %dma_wait3A_452] : memref<2x128x128xf32, #tpu.memory_space<vmem>> -> memref<1x128x128xf32, #tpu.memory_space<vmem>>
            %dma_wait3A_454 = tpu.memref_squeeze %dma_wait3A_453 : memref<1x128x128xf32, #tpu.memory_space<vmem>> -> memref<128x128xf32, #tpu.memory_space<vmem>>
            %dma_wait3A_455 = arith.constant 0 : i32
            %dma_wait3A_456 = arith.constant 0 : i32
            %dma_wait3A_457 = tpu.memref_slice %run_scoped3A[%rem3A_344, %dma_wait3A_455, %dma_wait3A_456] : memref<2x1x128xi32, #tpu.memory_space<vmem>> -> memref<1x1x128xi32, #tpu.memory_space<vmem>>
            %dma_wait3A_458 = tpu.memref_squeeze %dma_wait3A_457 : memref<1x1x128xi32, #tpu.memory_space<vmem>> -> memref<1x128xi32, #tpu.memory_space<vmem>>
            %dma_wait3A_459 = arith.constant 0 : i32
            %dma_wait3A_460 = tpu.memref_slice %dma_wait3A_458[%run_scoped3A_347, %dma_wait3A_459] : memref<1x128xi32, #tpu.memory_space<vmem>> -> memref<1x128xi32, #tpu.memory_space<vmem>>
            %dma_wait3A_461 = tpu.memref_squeeze %dma_wait3A_460 : memref<1x128xi32, #tpu.memory_space<vmem>> -> memref<128xi32, #tpu.memory_space<vmem>>
            %dma_wait3A_462 = arith.constant 0 : i32
            %dma_wait3A_463 = arith.constant 0 : i32
            %dma_wait3A_464 = tpu.memref_slice %arg2[%dma_wait3A_462, %dma_wait3A_463] : memref<501760x128xf32, #tpu.memory_space<hbm>> -> memref<501760x128xf32, #tpu.memory_space<hbm>>
            tpu.wait_indirect_dma semaphore(%run_scoped3A_437 : memref<!tpu.dma_semaphore, #tpu.memory_space<semaphore_mem>>) src(%dma_wait3A_464 : memref<501760x128xf32, #tpu.memory_space<hbm>>) dst(%dma_wait3A_454 : memref<128x128xf32, #tpu.memory_space<vmem>>)
            tpu.yield
          }) : () -> ()
          "tpu.trace_stop"() : () -> ()
          %ne3A_348 = arith.cmpi ne, %add3A_228, %add3A_264 : i32
          %ne3A_349 = arith.cmpi ne, %add3A_230, %add3A_266 : i32
          %or3A_350 = arith.constant false
          %or3A_351 = arith.ori %or3A_350, %ne3A_348 : i1
          %or3A_352 = arith.ori %or3A_351, %ne3A_349 : i1
          %or3A_353 = arith.ori %or3A_352, %eq3A_227 : i1
          %convert_element_type3A_354 = arith.extui %or3A_353 : i1 to i32
          %cond3A_355 = arith.constant 0 : i32
          %cond3A_356 = arith.cmpi ne, %convert_element_type3A_354, %cond3A_355 : i32
          scf.if %cond3A_356 {
          } else {
          }
          %and3A_357 = arith.constant false
          %and3A_358 = arith.andi %or3A_353, %and3A_357 : i1
          %mul3A_359 = arith.constant 8 : i32
          %mul3A_360 = arith.muli %add3A_228, %mul3A_359 : i32
          %add3A_361 = arith.addi %mul3A_360, %add3A_230 : i32
          %mul3A_362 = arith.constant 8 : i32
          %mul3A_363 = arith.muli %add3A_264, %mul3A_362 : i32
          %add3A_364 = arith.addi %mul3A_363, %add3A_266 : i32
          %ne3A_365 = arith.cmpi ne, %add3A_361, %add3A_364 : i32
          %or3A_366 = arith.constant false
          %or3A_367 = arith.ori %or3A_366, %ne3A_365 : i1
          %or3A_368 = arith.constant false
          %or3A_369 = arith.ori %or3A_367, %or3A_368 : i1
          %or3A_370 = arith.ori %or3A_369, %eq3A_227 : i1
          %convert_element_type3A_371 = arith.extui %or3A_370 : i1 to i32
          %cond3A_372 = arith.constant 0 : i32
          %cond3A_373 = arith.cmpi ne, %convert_element_type3A_371, %cond3A_372 : i32
          scf.if %cond3A_373 {
            "tpu.trace_start"() <{level = 10 : i32, message = "ep_copy_out"}> : () -> ()
            %rem3A_437 = arith.constant 2 : i32
            %rem3A_438 = arith.remui %while3A_215, %rem3A_437 : i32
            %mul3A_439 = arith.constant 8 : i32
            %mul3A_440 = arith.muli %add3A_228, %mul3A_439 : i32
            %add3A_441 = arith.addi %mul3A_440, %add3A_230 : i32
            %mul3A_442 = arith.constant 128 : i32
            %mul3A_443 = arith.muli %mul3A_442, %add3A_441 : i32
            %dma_start3A_444 = arith.constant 0 : i32
            %dma_start3A_445 = arith.constant 0 : i32
            %dma_start3A_446 = tpu.memref_slice %run_scoped3A_20[%rem3A_438, %dma_start3A_444, %dma_start3A_445] : memref<2x128x128xf32, #tpu.memory_space<vmem>> -> memref<1x128x128xf32, #tpu.memory_space<vmem>>
            %dma_start3A_447 = tpu.memref_squeeze %dma_start3A_446 : memref<1x128x128xf32, #tpu.memory_space<vmem>> -> memref<128x128xf32, #tpu.memory_space<vmem>>
            %dma_start3A_448 = arith.constant 0 : i32
            %dma_start3A_449 = tpu.memref_slice %arg4[%mul3A_443, %dma_start3A_448] : memref<204800x128xf32, #tpu.memory_space<hbm>> -> memref<128x128xf32, #tpu.memory_space<hbm>>
            %dma_start3A_450 = tpu.memref_slice %run_scoped3A_21[%rem3A_438] : memref<2x!tpu.dma_semaphore, #tpu.memory_space<semaphore_mem>> -> memref<1x!tpu.dma_semaphore, #tpu.memory_space<semaphore_mem>>
            %dma_start3A_451 = tpu.memref_squeeze %dma_start3A_450 : memref<1x!tpu.dma_semaphore, #tpu.memory_space<semaphore_mem>> -> memref<!tpu.dma_semaphore, #tpu.memory_space<semaphore_mem>>
            %dma_start3A_452 = arith.constant 0 : i32
            %dma_start3A_453 = tpu.memref_slice %arg4[%mul3A_443, %dma_start3A_452] : memref<204800x128xf32, #tpu.memory_space<hbm>> -> memref<128x128xf32, #tpu.memory_space<hbm>>
            %dma_start3A_454 = arith.constant 0 : i32
            %dma_start3A_455 = arith.constant 0 : i32
            %dma_start3A_456 = tpu.memref_slice %run_scoped3A_20[%rem3A_438, %dma_start3A_454, %dma_start3A_455] : memref<2x128x128xf32, #tpu.memory_space<vmem>> -> memref<1x128x128xf32, #tpu.memory_space<vmem>>
            %dma_start3A_457 = tpu.memref_squeeze %dma_start3A_456 : memref<1x128x128xf32, #tpu.memory_space<vmem>> -> memref<128x128xf32, #tpu.memory_space<vmem>>
            tpu.enqueue_dma source(%dma_start3A_457 : memref<128x128xf32, #tpu.memory_space<vmem>>) target(%dma_start3A_453 : memref<128x128xf32, #tpu.memory_space<hbm>>) target_semaphore(%dma_start3A_451 : memref<!tpu.dma_semaphore, #tpu.memory_space<semaphore_mem>>)
            "tpu.trace_stop"() : () -> ()
          } else {
          }
          %and3A_374 = arith.constant true
          %and3A_375 = arith.andi %or3A_370, %and3A_374 : i1
          %add3A_376 = arith.constant 1 : i32
          %add3A_377 = arith.addi %while3A_215, %add3A_376 : i32
          %select_n3A_378 = arith.select %and3A_375, %add3A_377, %while3A_215 : i32
          %ne3A_379 = arith.cmpi ne, %add3A_228, %add3A_247 : i32
          %ne3A_380 = arith.cmpi ne, %add3A_230, %add3A_249 : i32
          %or3A_381 = arith.constant false
          %or3A_382 = arith.ori %or3A_381, %ne3A_379 : i1
          %or3A_383 = arith.ori %or3A_382, %ne3A_380 : i1
          %not3A_384 = arith.constant true
          %not3A_385 = arith.xori %eq3A_224, %not3A_384 : i1
          %and3A_386 = arith.andi %or3A_383, %not3A_385 : i1
          %convert_element_type3A_387 = arith.extui %and3A_386 : i1 to i32
          %cond3A_388 = arith.constant 0 : i32
          %cond3A_389 = arith.cmpi ne, %convert_element_type3A_387, %cond3A_388 : i32
          scf.if %cond3A_389 {
          } else {
          }
          %and3A_390 = arith.constant false
          %and3A_391 = arith.andi %and3A_386, %and3A_390 : i1
          %mul3A_392 = arith.constant 8 : i32
          %mul3A_393 = arith.muli %add3A_228, %mul3A_392 : i32
          %add3A_394 = arith.addi %mul3A_393, %add3A_230 : i32
          %mul3A_395 = arith.constant 8 : i32
          %mul3A_396 = arith.muli %add3A_247, %mul3A_395 : i32
          %add3A_397 = arith.addi %mul3A_396, %add3A_249 : i32
          %ne3A_398 = arith.cmpi ne, %add3A_394, %add3A_397 : i32
          %or3A_399 = arith.constant false
          %or3A_400 = arith.ori %or3A_399, %ne3A_398 : i1
          %or3A_401 = arith.constant false
          %or3A_402 = arith.ori %or3A_400, %or3A_401 : i1
          %not3A_403 = arith.constant true
          %not3A_404 = arith.xori %eq3A_224, %not3A_403 : i1
          %and3A_405 = arith.andi %or3A_402, %not3A_404 : i1
          %convert_element_type3A_406 = arith.extui %and3A_405 : i1 to i32
          %cond3A_407 = arith.constant 0 : i32
          %cond3A_408 = arith.cmpi ne, %convert_element_type3A_406, %cond3A_407 : i32
          scf.if %cond3A_408 {
            "tpu.trace_start"() <{level = 10 : i32, message = "ep_wait_out"}> : () -> ()
            %rem3A_437 = arith.constant 2 : i32
            %rem3A_438 = arith.remui %while3A_216, %rem3A_437 : i32
            %mul3A_439 = arith.constant 8 : i32
            %mul3A_440 = arith.muli %add3A_247, %mul3A_439 : i32
            %add3A_441 = arith.addi %mul3A_440, %add3A_249 : i32
            %mul3A_442 = arith.constant 128 : i32
            %mul3A_443 = arith.muli %mul3A_442, %add3A_441 : i32
            %dma_wait3A = arith.constant 0 : i32
            %dma_wait3A_444 = arith.constant 0 : i32
            %dma_wait3A_445 = tpu.memref_slice %run_scoped3A_20[%rem3A_438, %dma_wait3A, %dma_wait3A_444] : memref<2x128x128xf32, #tpu.memory_space<vmem>> -> memref<1x128x128xf32, #tpu.memory_space<vmem>>
            %dma_wait3A_446 = tpu.memref_squeeze %dma_wait3A_445 : memref<1x128x128xf32, #tpu.memory_space<vmem>> -> memref<128x128xf32, #tpu.memory_space<vmem>>
            %dma_wait3A_447 = arith.constant 0 : i32
            %dma_wait3A_448 = tpu.memref_slice %arg4[%mul3A_443, %dma_wait3A_447] : memref<204800x128xf32, #tpu.memory_space<hbm>> -> memref<128x128xf32, #tpu.memory_space<hbm>>
            %dma_wait3A_449 = tpu.memref_slice %run_scoped3A_21[%rem3A_438] : memref<2x!tpu.dma_semaphore, #tpu.memory_space<semaphore_mem>> -> memref<1x!tpu.dma_semaphore, #tpu.memory_space<semaphore_mem>>
            %dma_wait3A_450 = tpu.memref_squeeze %dma_wait3A_449 : memref<1x!tpu.dma_semaphore, #tpu.memory_space<semaphore_mem>> -> memref<!tpu.dma_semaphore, #tpu.memory_space<semaphore_mem>>
            %dma_wait3A_451 = arith.constant 0 : i32
            %dma_wait3A_452 = tpu.memref_slice %arg4[%mul3A_443, %dma_wait3A_451] : memref<204800x128xf32, #tpu.memory_space<hbm>> -> memref<128x128xf32, #tpu.memory_space<hbm>>
            %dma_wait3A_453 = arith.constant 0 : i32
            %dma_wait3A_454 = arith.constant 0 : i32
            %dma_wait3A_455 = tpu.memref_slice %run_scoped3A_20[%rem3A_438, %dma_wait3A_453, %dma_wait3A_454] : memref<2x128x128xf32, #tpu.memory_space<vmem>> -> memref<1x128x128xf32, #tpu.memory_space<vmem>>
            %dma_wait3A_456 = tpu.memref_squeeze %dma_wait3A_455 : memref<1x128x128xf32, #tpu.memory_space<vmem>> -> memref<128x128xf32, #tpu.memory_space<vmem>>
            tpu.wait_dma2 semaphore(%dma_wait3A_450 : memref<!tpu.dma_semaphore, #tpu.memory_space<semaphore_mem>>) src(%dma_wait3A_456 : memref<128x128xf32, #tpu.memory_space<vmem>>) dst(%dma_wait3A_452 : memref<128x128xf32, #tpu.memory_space<hbm>>)
            "tpu.trace_stop"() : () -> ()
          } else {
          }
          %and3A_409 = arith.constant true
          %and3A_410 = arith.andi %and3A_405, %and3A_409 : i1
          %add3A_411 = arith.constant 1 : i32
          %add3A_412 = arith.addi %while3A_216, %add3A_411 : i32
          %select_n3A_413 = arith.select %and3A_410, %add3A_412, %while3A_216 : i32
          %ne3A_414 = arith.cmpi ne, %add3A_228, %add3A_264 : i32
          %ne3A_415 = arith.cmpi ne, %add3A_230, %add3A_266 : i32
          %or3A_416 = arith.constant false
          %or3A_417 = arith.ori %or3A_416, %ne3A_414 : i1
          %or3A_418 = arith.ori %or3A_417, %ne3A_415 : i1
          %or3A_419 = arith.ori %or3A_418, %eq3A_227 : i1
          %add3A_420 = arith.constant 1 : i32
          %add3A_421 = arith.addi %while3A_214, %add3A_420 : i32
          %select_n3A_422 = arith.select %or3A_419, %add3A_421, %while3A_214 : i32
          %add3A_423 = arith.constant 1 : i32
          %add3A_424 = arith.addi %while3A_218, %add3A_423 : i32
          %select_n3A_425 = arith.constant true
          %select_n3A_426 = arith.select %select_n3A_425, %add3A_424, %while3A_218 : i32
          %eq3A_427 = arith.constant 8 : i32
          %eq3A_428 = arith.cmpi eq, %select_n3A_426, %eq3A_427 : i32
          %select_n3A_429 = arith.constant 0 : i32
          %select_n3A_430 = arith.select %eq3A_428, %select_n3A_429, %select_n3A_426 : i32
          %add3A_431 = arith.constant 1 : i32
          %add3A_432 = arith.addi %while3A_217, %add3A_431 : i32
          %select_n3A_433 = arith.select %eq3A_428, %add3A_432, %while3A_217 : i32
          %eq3A_434 = arith.cmpi eq, %select_n3A_433, %select_n3A : i32
          %select_n3A_435 = arith.constant 0 : i32
          %select_n3A_436 = arith.select %eq3A_434, %select_n3A_435, %select_n3A_433 : i32
          scf.yield %select_n3A_299, %select_n3A_422, %select_n3A_378, %select_n3A_413, %select_n3A_436, %select_n3A_430 : i32, i32, i32, i32, i32, i32
        }
        %sub3A_123 = arith.constant 1 : i32
        %sub3A_124 = arith.subi %while3A_122#5, %sub3A_123 : i32
        %select_n3A_125 = arith.constant true
        %select_n3A_126 = arith.select %select_n3A_125, %sub3A_124, %while3A_122#5 : i32
        %eq3A_127 = arith.constant -1 : i32
        %eq3A_128 = arith.cmpi eq, %select_n3A_126, %eq3A_127 : i32
        %select_n3A_129 = arith.constant 7 : i32
        %select_n3A_130 = arith.select %eq3A_128, %select_n3A_129, %select_n3A_126 : i32
        %sub3A_131 = arith.constant 1 : i32
        %sub3A_132 = arith.subi %while3A_122#4, %sub3A_131 : i32
        %select_n3A_133 = arith.select %eq3A_128, %sub3A_132, %while3A_122#4 : i32
        %eq3A_134 = arith.constant -1 : i32
        %eq3A_135 = arith.cmpi eq, %select_n3A_133, %eq3A_134 : i32
        %sub3A_136 = arith.constant 1 : i32
        %sub3A_137 = arith.subi %select_n3A, %sub3A_136 : i32
        %select_n3A_138 = arith.select %eq3A_135, %sub3A_137, %select_n3A_133 : i32
        %sub3A_139 = arith.constant 1 : i32
        %sub3A_140 = arith.subi %mul3A_18, %sub3A_139 : i32
        %mul3A_141 = arith.constant 1 : i32
        %mul3A_142 = arith.muli %mul3A_141, %select_n3A : i32
        %mul3A_143 = arith.constant 8 : i32
        %mul3A_144 = arith.muli %mul3A_142, %mul3A_143 : i32
        %eq3A_145 = arith.constant 0 : i32
        %eq3A_146 = arith.cmpi eq, %sub3A_140, %eq3A_145 : i32
        %sub3A_147 = arith.constant 1 : i32
        %sub3A_148 = arith.subi %mul3A_144, %sub3A_147 : i32
        %eq3A_149 = arith.cmpi eq, %sub3A_140, %sub3A_148 : i32
        %add3A_150 = arith.addi %select_n3A_138, %select_n3A_14 : i32
        %add3A_151 = arith.constant 0 : i32
        %add3A_152 = arith.addi %select_n3A_130, %add3A_151 : i32
        %sub3A_153 = arith.constant 1 : i32
        %sub3A_154 = arith.subi %select_n3A_130, %sub3A_153 : i32
        %select_n3A_155 = arith.constant true
        %select_n3A_156 = arith.select %select_n3A_155, %sub3A_154, %select_n3A_130 : i32
        %eq3A_157 = arith.constant -1 : i32
        %eq3A_158 = arith.cmpi eq, %select_n3A_156, %eq3A_157 : i32
        %select_n3A_159 = arith.constant 7 : i32
        %select_n3A_160 = arith.select %eq3A_158, %select_n3A_159, %select_n3A_156 : i32
        %sub3A_161 = arith.constant 1 : i32
        %sub3A_162 = arith.subi %select_n3A_138, %sub3A_161 : i32
        %select_n3A_163 = arith.select %eq3A_158, %sub3A_162, %select_n3A_138 : i32
        %eq3A_164 = arith.constant -1 : i32
        %eq3A_165 = arith.cmpi eq, %select_n3A_163, %eq3A_164 : i32
        %sub3A_166 = arith.constant 1 : i32
        %sub3A_167 = arith.subi %select_n3A, %sub3A_166 : i32
        %select_n3A_168 = arith.select %eq3A_165, %sub3A_167, %select_n3A_163 : i32
        %add3A_169 = arith.addi %select_n3A_168, %select_n3A_14 : i32
        %add3A_170 = arith.constant 0 : i32
        %add3A_171 = arith.addi %select_n3A_160, %add3A_170 : i32
        %add3A_172 = arith.constant 1 : i32
        %add3A_173 = arith.addi %select_n3A_130, %add3A_172 : i32
        %select_n3A_174 = arith.constant true
        %select_n3A_175 = arith.select %select_n3A_174, %add3A_173, %select_n3A_130 : i32
        %eq3A_176 = arith.constant 8 : i32
        %eq3A_177 = arith.cmpi eq, %select_n3A_175, %eq3A_176 : i32
        %select_n3A_178 = arith.constant 0 : i32
        %select_n3A_179 = arith.select %eq3A_177, %select_n3A_178, %select_n3A_175 : i32
        %add3A_180 = arith.constant 1 : i32
        %add3A_181 = arith.addi %select_n3A_138, %add3A_180 : i32
        %select_n3A_182 = arith.select %eq3A_177, %add3A_181, %select_n3A_138 : i32
        %eq3A_183 = arith.cmpi eq, %select_n3A_182, %select_n3A : i32
        %select_n3A_184 = arith.constant 0 : i32
        %select_n3A_185 = arith.select %eq3A_183, %select_n3A_184, %select_n3A_182 : i32
        %add3A_186 = arith.addi %select_n3A_185, %select_n3A_14 : i32
        %add3A_187 = arith.constant 0 : i32
        %add3A_188 = arith.addi %select_n3A_179, %add3A_187 : i32
        %add3A_189 = arith.constant 1 : i32
        %add3A_190 = arith.addi %select_n3A_179, %add3A_189 : i32
        %select_n3A_191 = arith.constant true
        %select_n3A_192 = arith.select %select_n3A_191, %add3A_190, %select_n3A_179 : i32
        %eq3A_193 = arith.constant 8 : i32
        %eq3A_194 = arith.cmpi eq, %select_n3A_192, %eq3A_193 : i32
        %select_n3A_195 = arith.constant 0 : i32
        %select_n3A_196 = arith.select %eq3A_194, %select_n3A_195, %select_n3A_192 : i32
        %add3A_197 = arith.constant 1 : i32
        %add3A_198 = arith.addi %select_n3A_185, %add3A_197 : i32
        %select_n3A_199 = arith.select %eq3A_194, %add3A_198, %select_n3A_185 : i32
        %eq3A_200 = arith.cmpi eq, %select_n3A_199, %select_n3A : i32
        %select_n3A_201 = arith.constant 0 : i32
        %select_n3A_202 = arith.select %eq3A_200, %select_n3A_201, %select_n3A_199 : i32
        %add3A_203 = arith.addi %select_n3A_202, %select_n3A_14 : i32
        %add3A_204 = arith.constant 0 : i32
        %add3A_205 = arith.addi %select_n3A_196, %add3A_204 : i32
        %convert_element_type3A_206 = arith.extui %eq3A_149 : i1 to i32
        %cond3A_207 = arith.constant 0 : i32
        %cond3A_208 = arith.cmpi ne, %convert_element_type3A_206, %cond3A_207 : i32
        scf.if %cond3A_208 {
        } else {
        }
        %convert_element_type3A_209 = arith.extui %eq3A_149 : i1 to i32
        %cond3A_210 = arith.constant 0 : i32
        %cond3A_211 = arith.cmpi ne, %convert_element_type3A_209, %cond3A_210 : i32
        scf.if %cond3A_211 {
          "tpu.trace_start"() <{level = 10 : i32, message = "ep_finalize"}> : () -> ()
          %rem3A_212 = arith.constant 2 : i32
          %rem3A_213 = arith.remui %while3A_122#3, %rem3A_212 : i32
          %mul3A_214 = arith.constant 8 : i32
          %mul3A_215 = arith.muli %add3A_150, %mul3A_214 : i32
          %add3A_216 = arith.addi %mul3A_215, %add3A_152 : i32
          %mul3A_217 = arith.constant 128 : i32
          %mul3A_218 = arith.muli %mul3A_217, %add3A_216 : i32
          %dma_wait3A = arith.constant 0 : i32
          %dma_wait3A_219 = arith.constant 0 : i32
          %dma_wait3A_220 = tpu.memref_slice %run_scoped3A_20[%rem3A_213, %dma_wait3A, %dma_wait3A_219] : memref<2x128x128xf32, #tpu.memory_space<vmem>> -> memref<1x128x128xf32, #tpu.memory_space<vmem>>
          %dma_wait3A_221 = tpu.memref_squeeze %dma_wait3A_220 : memref<1x128x128xf32, #tpu.memory_space<vmem>> -> memref<128x128xf32, #tpu.memory_space<vmem>>
          %dma_wait3A_222 = arith.constant 0 : i32
          %dma_wait3A_223 = tpu.memref_slice %arg4[%mul3A_218, %dma_wait3A_222] : memref<204800x128xf32, #tpu.memory_space<hbm>> -> memref<128x128xf32, #tpu.memory_space<hbm>>
          %dma_wait3A_224 = tpu.memref_slice %run_scoped3A_21[%rem3A_213] : memref<2x!tpu.dma_semaphore, #tpu.memory_space<semaphore_mem>> -> memref<1x!tpu.dma_semaphore, #tpu.memory_space<semaphore_mem>>
          %dma_wait3A_225 = tpu.memref_squeeze %dma_wait3A_224 : memref<1x!tpu.dma_semaphore, #tpu.memory_space<semaphore_mem>> -> memref<!tpu.dma_semaphore, #tpu.memory_space<semaphore_mem>>
          %dma_wait3A_226 = arith.constant 0 : i32
          %dma_wait3A_227 = tpu.memref_slice %arg4[%mul3A_218, %dma_wait3A_226] : memref<204800x128xf32, #tpu.memory_space<hbm>> -> memref<128x128xf32, #tpu.memory_space<hbm>>
          %dma_wait3A_228 = arith.constant 0 : i32
          %dma_wait3A_229 = arith.constant 0 : i32
          %dma_wait3A_230 = tpu.memref_slice %run_scoped3A_20[%rem3A_213, %dma_wait3A_228, %dma_wait3A_229] : memref<2x128x128xf32, #tpu.memory_space<vmem>> -> memref<1x128x128xf32, #tpu.memory_space<vmem>>
          %dma_wait3A_231 = tpu.memref_squeeze %dma_wait3A_230 : memref<1x128x128xf32, #tpu.memory_space<vmem>> -> memref<128x128xf32, #tpu.memory_space<vmem>>
          tpu.wait_dma2 semaphore(%dma_wait3A_225 : memref<!tpu.dma_semaphore, #tpu.memory_space<semaphore_mem>>) src(%dma_wait3A_231 : memref<128x128xf32, #tpu.memory_space<vmem>>) dst(%dma_wait3A_227 : memref<128x128xf32, #tpu.memory_space<hbm>>)
          "tpu.trace_stop"() : () -> ()
        } else {
        }
      } else {
      }
      tpu.yield
    }) : () -> ()
    return
  }
}

module attributes {stable_mosaic.version = 14 : i64} {
  func.func @body(%arg0: i32, %arg1: memref<64x2048xf32, #tpu.memory_space<vmem>>, %arg2: memref<64x2048xf32, #tpu.memory_space<vmem>>, %arg3: memref<64x64xbf16, #tpu.memory_space<vmem>>, %arg4: memref<2048x128xf32, #tpu.memory_space<vmem>>) attributes {dimension_semantics = [#tpu.dimension_semantics<arbitrary>], iteration_bounds = array<i64: 245>, scalar_prefetch = 0 : i64, scratch_operands = 0 : i64, tpu.core_type = #tpu.core_type<tc>, window_params = [{transform_indices = @transform_0, window_bounds = array<i64: 64, 2048>}, {transform_indices = @transform_1, window_bounds = array<i64: 64, 2048>}, {pipeline_mode = #tpu.pipeline_mode<synchronous>, transform_indices = @transform_2, window_bounds = array<i64: 64, 64>}, {transform_indices = @transform_3, window_bounds = array<i64: 2048, 128>}]} {
    %get3A = arith.constant 0 : index
    %get3A_0 = arith.constant 0 : index
    %get3A_1 = vector.load %arg3[%get3A, %get3A_0] : memref<64x64xbf16, #tpu.memory_space<vmem>>, vector<64x64xbf16>
    %get3A_2 = arith.constant 0 : index
    %get3A_3 = arith.constant 0 : index
    %get3A_4 = vector.load %arg1[%get3A_2, %get3A_3] : memref<64x2048xf32, #tpu.memory_space<vmem>>, vector<64x2048xf32>
    %convert_element_type3A = arith.truncf %get3A_4 : vector<64x2048xf32> to vector<64x2048xbf16>
    %dot_general3A = arith.constant dense<0.000000e+00> : vector<2048x64xf32>
    %dot_general3A_5 = tpu.matmul %convert_element_type3A, %get3A_1, %dot_general3A {dimension_numbers = #tpu.dot_dimension_numbers<[0], [0], [1], [1], [0, 1, 1, 1], [], []>, transpose_lhs_hint = false} : vector<64x2048xbf16>, vector<64x64xbf16>, vector<2048x64xf32> -> vector<2048x64xf32>
    %get3A_6 = arith.constant 0 : index
    %get3A_7 = arith.constant 0 : index
    %get3A_8 = vector.load %arg2[%get3A_6, %get3A_7] : memref<64x2048xf32, #tpu.memory_space<vmem>>, vector<64x2048xf32>
    %convert_element_type3A_9 = arith.truncf %get3A_8 : vector<64x2048xf32> to vector<64x2048xbf16>
    %dot_general3A_10 = arith.constant dense<0.000000e+00> : vector<2048x64xf32>
    %dot_general3A_11 = tpu.matmul %convert_element_type3A_9, %get3A_1, %dot_general3A_10 {dimension_numbers = #tpu.dot_dimension_numbers<[0], [0], [1], [1], [0, 1, 1, 1], [], []>, transpose_lhs_hint = false} : vector<64x2048xbf16>, vector<64x64xbf16>, vector<2048x64xf32> -> vector<2048x64xf32>
    %concatenate3A = tpu.concatenate %dot_general3A_5, %dot_general3A_11 in 1 : vector<2048x64xf32>, vector<2048x64xf32> -> vector<2048x128xf32>
    %swap3A = arith.constant 0 : index
    %swap3A_12 = arith.constant 0 : index
    %swap3A_13 = vector.load %arg4[%swap3A, %swap3A_12] : memref<2048x128xf32, #tpu.memory_space<vmem>>, vector<2048x128xf32>
    tpu.vector_store %arg4[%swap3A, %swap3A_12], %concatenate3A {strides = array<i32>} : memref<2048x128xf32, #tpu.memory_space<vmem>>, vector<2048x128xf32>,
    return
  }
  func.func @transform_0(%arg0: i32) -> (i32, i32) {
    %c0_i32 = arith.constant 0 : i32
    %c0_i32_0 = arith.constant 0 : i32
    return %c0_i32, %arg0 : i32, i32
  }
  func.func @transform_1(%arg0: i32) -> (i32, i32) {
    %add3A = arith.constant 245 : i32
    %add3A_0 = arith.addi %arg0, %add3A : i32
    %min3A = arith.constant 488 : i32
    %min3A_1 = arith.minsi %add3A_0, %min3A : i32
    %c0_i32 = arith.constant 0 : i32
    %c0_i32_2 = arith.constant 0 : i32
    return %c0_i32, %min3A_1 : i32, i32
  }
  func.func @transform_2(%arg0: i32) -> (i32, i32) {
    %c0_i32 = arith.constant 0 : i32
    %c0_i32_0 = arith.constant 0 : i32
    %c0_i32_1 = arith.constant 0 : i32
    return %c0_i32, %c0_i32_0 : i32, i32
  }
  func.func @transform_3(%arg0: i32) -> (i32, i32) {
    %c0_i32 = arith.constant 0 : i32
    %c0_i32_0 = arith.constant 0 : i32
    return %arg0, %c0_i32 : i32, i32
  }
}

module attributes {stable_mosaic.version = 14 : i64} {
  func.func @body(%arg0: memref<1024x200xi32, #tpu.memory_space<vmem>>, %arg1: memref<200x1024xi32, #tpu.memory_space<vmem>>, %arg2: memref<200x1024xi32, #tpu.memory_space<vmem>>) attributes {dimension_semantics = [], scalar_prefetch = 0 : i64, scratch_operands = 0 : i64, tpu.core_type = #tpu.core_type<tc>} {
    %get3A = arith.constant 0 : index
    %get3A_0 = arith.constant 0 : index
    %get3A_1 = vector.load %arg0[%get3A, %get3A_0] : memref<1024x200xi32, #tpu.memory_space<vmem>>, vector<1024x200xi32>
    %transpose3A = tpu.transpose %get3A_1, [1, 0] : vector<1024x200xi32> -> vector<200x1024xi32>
    %ge3A = arith.constant 501760 : i32
    %ge3A_2 = vector.broadcast %ge3A : i32 to vector<200x1024xi32>
    %ge3A_3 = arith.cmpi sge, %transpose3A, %ge3A_2 : vector<200x1024xi32>
    %convert_element_type3A = arith.extui %ge3A_3 : vector<200x1024xi1> to vector<200x1024xi32>
    %mul3A = arith.constant 501760 : i32
    %mul3A_4 = vector.broadcast %mul3A : i32 to vector<200x1024xi32>
    %mul3A_5 = arith.muli %mul3A_4, %convert_element_type3A : vector<200x1024xi32>
    %sub3A = arith.subi %transpose3A, %mul3A_5 : vector<200x1024xi32>
    %swap3A = arith.constant 0 : index
    %swap3A_6 = arith.constant 0 : index
    %swap3A_7 = vector.load %arg1[%swap3A, %swap3A_6] : memref<200x1024xi32, #tpu.memory_space<vmem>>, vector<200x1024xi32>
    tpu.vector_store %arg1[%swap3A, %swap3A_6], %sub3A {strides = array<i32>} : memref<200x1024xi32, #tpu.memory_space<vmem>>, vector<200x1024xi32>,
    %swap3A_8 = arith.constant 0 : index
    %swap3A_9 = arith.constant 0 : index
    %swap3A_10 = vector.load %arg2[%swap3A_8, %swap3A_9] : memref<200x1024xi32, #tpu.memory_space<vmem>>, vector<200x1024xi32>
    tpu.vector_store %arg2[%swap3A_8, %swap3A_9], %convert_element_type3A {strides = array<i32>} : memref<200x1024xi32, #tpu.memory_space<vmem>>, vector<200x1024xi32>,
    return
  }
}

module attributes {stable_mosaic.version = 14 : i64} {
  func.func @body(%arg0: i32, %arg1: memref<8x1024x128xf32, #tpu.memory_space<vmem>>, %arg2: memref<8x1024xi32, #tpu.memory_space<vmem>>, %arg3: memref<8x64xf32, #tpu.memory_space<vmem>>, %arg4: memref<8x64x1024xf32, #tpu.memory_space<vmem>>) attributes {dimension_semantics = [#tpu.dimension_semantics<parallel>], iteration_bounds = array<i64: 25>, scalar_prefetch = 0 : i64, scratch_operands = 0 : i64, tpu.core_type = #tpu.core_type<tc>, window_params = [{transform_indices = @transform_0, window_bounds = array<i64: 8, 1024, 128>}, {transform_indices = @transform_1, window_bounds = array<i64: 8, 1024>}, {transform_indices = @transform_2, window_bounds = array<i64: 8, 64>}, {transform_indices = @transform_3, window_bounds = array<i64: 8, 64, 1024>}]} {
    %get3A = arith.constant 0 : index
    %get3A_0 = arith.constant 0 : index
    %get3A_1 = arith.constant 0 : index
    %get3A_2 = vector.load %arg1[%get3A, %get3A_0, %get3A_1] : memref<8x1024x128xf32, #tpu.memory_space<vmem>>, vector<8x1024x128xf32>
    %get3A_3 = arith.constant 0 : index
    %get3A_4 = arith.constant 0 : index
    %get3A_5 = vector.load %arg2[%get3A_3, %get3A_4] : memref<8x1024xi32, #tpu.memory_space<vmem>>, vector<8x1024xi32>
    %broadcast_in_dim3A = vector.shape_cast %get3A_5 : vector<8x1024xi32> to vector<8x1024x1xi32>
    %broadcast_in_dim3A_6 = vector.broadcast %broadcast_in_dim3A : vector<8x1024x1xi32> to vector<8x1024x64xi32>
    %eq3A = arith.constant 1 : i32
    %eq3A_7 = vector.broadcast %eq3A : i32 to vector<8x1024x64xi32>
    %eq3A_8 = arith.cmpi eq, %broadcast_in_dim3A_6, %eq3A_7 : vector<8x1024x64xi32>
    %slice3A = vector.extract_strided_slice %get3A_2 {offsets = [0, 0, 64], sizes = [8, 1024, 64], strides = [1, 1, 1]} : vector<8x1024x128xf32> to vector<8x1024x64xf32>
    %slice3A_9 = vector.extract_strided_slice %get3A_2 {offsets = [0, 0, 0], sizes = [8, 1024, 64], strides = [1, 1, 1]} : vector<8x1024x128xf32> to vector<8x1024x64xf32>
    %select_n3A = arith.select %eq3A_8, %slice3A, %slice3A_9 : vector<8x1024x64xi1>, vector<8x1024x64xf32>
    %transpose3A = tpu.transpose %select_n3A, [0, 2, 1] : vector<8x1024x64xf32> -> vector<8x64x1024xf32>
    %get3A_10 = arith.constant 0 : index
    %get3A_11 = arith.constant 0 : index
    %get3A_12 = vector.load %arg3[%get3A_10, %get3A_11] : memref<8x64xf32, #tpu.memory_space<vmem>>, vector<8x64xf32>
    %broadcast_in_dim3A_13 = vector.shape_cast %get3A_12 : vector<8x64xf32> to vector<8x64x1xf32>
    %broadcast_in_dim3A_14 = vector.broadcast %broadcast_in_dim3A_13 : vector<8x64x1xf32> to vector<8x64x1024xf32>
    %add3A = arith.addf %transpose3A, %broadcast_in_dim3A_14 : vector<8x64x1024xf32>
    %swap3A = arith.constant 0 : index
    %swap3A_15 = arith.constant 0 : index
    %swap3A_16 = arith.constant 0 : index
    %swap3A_17 = vector.load %arg4[%swap3A, %swap3A_15, %swap3A_16] : memref<8x64x1024xf32, #tpu.memory_space<vmem>>, vector<8x64x1024xf32>
    tpu.vector_store %arg4[%swap3A, %swap3A_15, %swap3A_16], %add3A {strides = array<i32>} : memref<8x64x1024xf32, #tpu.memory_space<vmem>>, vector<8x64x1024xf32>,
    return
  }
  func.func @transform_0(%arg0: i32) -> (i32, i32, i32) {
    %c0_i32 = arith.constant 0 : i32
    %c0_i32_0 = arith.constant 0 : i32
    %c0_i32_1 = arith.constant 0 : i32
    return %arg0, %c0_i32, %c0_i32_0 : i32, i32, i32
  }
  func.func @transform_1(%arg0: i32) -> (i32, i32) {
    %c0_i32 = arith.constant 0 : i32
    %c0_i32_0 = arith.constant 0 : i32
    return %arg0, %c0_i32 : i32, i32
  }
  func.func @transform_2(%arg0: i32) -> (i32, i32) {
    %c0_i32 = arith.constant 0 : i32
    %c0_i32_0 = arith.constant 0 : i32
    return %arg0, %c0_i32 : i32, i32
  }
  func.func @transform_3(%arg0: i32) -> (i32, i32, i32) {
    %c0_i32 = arith.constant 0 : i32
    %c0_i32_0 = arith.constant 0 : i32
    %c0_i32_1 = arith.constant 0 : i32
    return %arg0, %c0_i32, %c0_i32_0 : i32, i32, i32
  }
}

</mosaic_0001>

<sc_bundles>
// kernel: kernel.6.cloned.1.call-start
scs
__scs_entry_jumppad:
0x0: {  	(pc) =	sbr.rel $0x88, $3  }
0x1: {  	(tag) =	ssettag $0x0;
	lr =	simm.s32 $0x1  }
0x2: {  	[smem:$0x3F9E] =	sst lr;
	_ =	strace $0xD0000000  }
0x3: {  	_ = 	snop  }
0x4: {  	_ = 	snop  }
0x5: {  	_ = 	snop  }
0x6: {  	_ = 	snop  }
0x7: {  	_ = 	snop  }
__scs_overlays_trampoline_lowered:
0x8: {  	[smem:$0x3FAD] =	sst s0  }
0x9: {  	[smem:$0x3FAE] =	sst s1  }
0xa: {  	[smem:$0x3FAF] =	sst s2  }
0xb: {  	[smem:$0x3FB0] =	sst s3  }
0xc: {  	[smem:$0x3FB1] =	sst s4  }
0xd: {  	[smem:$0x3FB2] =	sst s5  }
0xe: {  	[smem:$0x3FB3] =	sst s6  }
0xf: {  	[smem:$0x3FB4] =	sst s7  }
0x10: {  	[smem:$0x3FB5] =	sst s8  }
0x11: {  	[smem:$0x3FB6] =	sst s9;
	s0 =	simm.s32 @!p0 $0x0  }
0x12: {  	s1 =	sld [smem:$0x3F9C];
	s0 =	simm.s32 @p0 $0x1  }
0x13: {  	[smem:$0x3FB7] =	sst s0;
	s0 =	simm.s32 @!p1 $0x0  }
0x14: {  	s2 =	sld [smem:$0x3F9B];
	s0 =	simm.s32 @p1 $0x1  }
0x15: {  	[smem:$0x3FB8] =	sst s0;
	s0 =	simm.s32 @!p2 $0x0  }
0x16: {  	s3 =	sld [smem:$0x3FDB];
	s0 =	simm.s32 @p2 $0x1  }
0x17: {  	s4 =	simm.s32 $0x1BF5;
	[smem:$0x3FBA] =	sst s0  }
0x18: {  	s0 =	sld [smem:$0x3F9D];
	_ =	swait.ge [sflag:s4], $0x0  }
0x19: {  	s7 =	sld [smem:$0x3F9E]  }
0x1a: {  	s8 =	sadd.s32 $0xFFFFE003, lr  }
0x1b: {  	s9 =	sadd.s32 $0xFFFFFEF7, lr;
	s5 =	simm.s32 $0xFFFFFFFF;
	p2 =	slt.u32 s8, $0xFFFFF086  }
0x1c: {  	p1 =	slt.u32 s9, $0xF7A;
	s5 =	simm.s32 @!p2 $0x0  }
0x1d: {  	s5 =	simm.s32 @p1 $0x1;
	p0 =	seq.s32 s7, s2  }
0x1e: {  	s7 =	smul.u32 @!p0 $0xF7A, s2;
	p2 =	seq.s32 @!p0 s5, $0x0  }
0x1f: {  	s9 =	smul.u32 $0xF7A, s1;
	s8 =	simm.s32 @!p0 $0x1BF5;
	p2 =	por !p2, p0  }
0x20: {  	[sflag:s8] =	ssyncset.s32 @!p0 $0xFFFFF086;
	s6 =	sadd.s32 @!p0 s3, s7;
	s7 =	simm.s32 @!p0 $0x108  }
0x21: {  	s3 =	sadd.s32 s3, s9;
	s6 =	sadd.s32 @!p0 $0x88, s6;
	s7 =	simm.s32 @p2 $0x1082  }
0x22: {  	[simem:s7], [sflag:s8] =	dma.local @!p0 [hbm:s6], $0xF7A  }
0x23: {  	s9 =	sor.u32 $0xD0000000, s2;
	s6 =	simm.s32 $0x108;
	_ =	swait.ge @!p0 [sflag:s8], $0x0  }
0x24: {  	s3 =	sadd.s32 $0x88, s3;
	s6 =	simm.s32 @!p1 $0x1082;
	[sflag:s4] =	ssyncset.s32 $0xFFFFF086  }
0x25: {  	[simem:s6], [sflag:s4] =	dma.local [hbm:s3], $0xF7A  }
0x26: {  	[smem:$0x3F9E] =	sst s1;
	(tag) =	ssettag s2;
	_ =	strace s9  }
0x27: {  	s1 =	sld [smem:$0x3FAE]  }
0x28: {  	s2 =	sld [smem:$0x3FAF]  }
0x29: {  	s4 =	sld [smem:$0x3FB1]  }
0x2a: {  	p0 =	seq.s32 s5, $0x0;
	s5 =	sld [smem:$0x3FB2]  }
0x2b: {  	s6 =	sld [smem:$0x3FB3]  }
0x2c: {  	s7 =	sld [smem:$0x3FB4]  }
0x2d: {  	s3 =	simm.s32 $0x108;
	s8 =	sld [smem:$0x3FB5]  }
0x2e: {  	s3 =	simm.s32 @!p0 $0x1082;
	s9 =	sld [smem:$0x3FB6]  }
0x2f: {  	lr =	sadd.s32 s0, s3;
	s0 =	sld [smem:$0x3FAD]  }
0x30: {  	s3 =	sld [smem:$0x3FB0]  }
0x31: {  	[smem:$0x3FB9] =	sst s10  }
0x32: {  	s10 =	sld [smem:$0x3FB7];
	_ =	sdelay $0x3  }
0x33: {  	p0 =	seq.s32 s10, $0x1;
	s10 =	sld [smem:$0x3FB9];
	_ =	sdelay $0x3  }
0x34: {  	[smem:$0x3FB9] =	sst s10  }
0x35: {  	s10 =	sld [smem:$0x3FB8];
	_ =	sdelay $0x3  }
0x36: {  	p1 =	seq.s32 s10, $0x1;
	s10 =	sld [smem:$0x3FB9];
	_ =	sdelay $0x3  }
0x37: {  	[smem:$0x3FB9] =	sst s10  }
0x38: {  	s10 =	sld [smem:$0x3FBA]  }
0x39: {  	_ = 	snop;
	(pc) =	sbr.ind lr, $3  }
0x3a: {  	_ = 	snop  }
0x3b: {  	_ = 	snop  }
0x3c: {  	p2 =	seq.s32 s10, $0x1;
	s10 =	sld [smem:$0x3FB9]  }
0x3d: {  	_ =	shalt  }
0x3e: {  	_ =	shalt  }
0x3f: {  	_ =	shalt  }
0x40: {  	_ =	shalt  }
0x41: {  	_ =	shalt  }
0x42: {  	_ =	shalt  }
0x43: {  	_ =	shalt  }
0x44: {  	_ =	shalt  }
0x45: {  	_ =	shalt  }
0x46: {  	_ =	shalt  }
0x47: {  	_ =	shalt  }
0x48: {  	_ =	shalt  }
0x49: {  	_ =	shalt  }
0x4a: {  	_ =	shalt  }
0x4b: {  	_ =	shalt  }
0x4c: {  	_ =	shalt  }
0x4d: {  	_ =	shalt  }
0x4e: {  	_ =	shalt  }
0x4f: {  	_ =	shalt  }
0x50: {  	_ =	shalt  }
0x51: {  	_ =	shalt  }
0x52: {  	_ =	shalt  }
0x53: {  	_ =	shalt  }
0x54: {  	_ =	shalt  }
0x55: {  	_ =	shalt  }
0x56: {  	_ =	shalt  }
0x57: {  	_ =	shalt  }
0x58: {  	_ =	shalt  }
0x59: {  	_ =	shalt  }
0x5a: {  	_ =	shalt  }
0x5b: {  	_ =	shalt  }
0x5c: {  	_ =	shalt  }
0x5d: {  	_ =	shalt  }
0x5e: {  	_ =	shalt  }
0x5f: {  	_ =	shalt  }
0x60: {  	_ =	shalt  }
0x61: {  	_ =	shalt  }
0x62: {  	_ =	shalt  }
0x63: {  	_ =	shalt  }
0x64: {  	_ =	shalt  }
0x65: {  	_ =	shalt  }
0x66: {  	_ =	shalt  }
0x67: {  	_ =	shalt  }
0x68: {  	_ =	shalt  }
0x69: {  	_ =	shalt  }
0x6a: {  	_ =	shalt  }
0x6b: {  	_ =	shalt  }
0x6c: {  	_ =	shalt  }
0x6d: {  	_ =	shalt  }
0x6e: {  	_ =	shalt  }
0x6f: {  	_ =	shalt  }
0x70: {  	_ =	shalt  }
0x71: {  	_ =	shalt  }
0x72: {  	_ =	shalt  }
0x73: {  	_ =	shalt  }
0x74: {  	_ =	shalt  }
0x75: {  	_ =	shalt  }
0x76: {  	_ =	shalt  }
0x77: {  	_ =	shalt  }
0x78: {  	_ =	shalt  }
0x79: {  	_ =	shalt  }
0x7a: {  	_ =	shalt  }
0x7b: {  	_ =	shalt  }
0x7c: {  	_ =	shalt  }
0x7d: {  	_ =	shalt  }
0x7e: {  	_ =	shalt  }
0x7f: {  	_ =	shalt  }
0x80: {  	_ =	shalt  }
0x81: {  	_ =	shalt  }
0x82: {  	_ =	shalt  }
0x83: {  	_ =	shalt  }
0x84: {  	_ =	shalt  }
0x85: {  	_ =	shalt  }
0x86: {  	_ =	shalt  }
0x87: {  	_ =	shalt  }
.Lfunc_end0:
.L_simem_size_0:
called_computation_lowered:
.L_overlay_start_0:
0x88: {  	s2 =	sld [smem:$0x3FD9]  }
0x89: {  	s3 =	sld [smem:$0x3FFE];
	_ =	sdelay $0x1  }
0x8a: {  	s1 =	srdreg.scid  }
0x8b: {  	s0 =	sand.u32 $0x1, s1  }
0x8c: {  	s17 =	sshll.u32 s0, $0xA;
	s2 =	sadd.s32 s3, s2  }
0x8d: {  	s2 =	sadd.s32 s2, s17  }
0x8e: {  	[smem:$0x3FC5] =	sst s2  }
0x8f: {  	_ = 	snop  }
0x90: {  	s2 =	sld [smem:$0x3FD0];
	(tm) =	ssettm $0x1  }
0x91: {  	s18 =	sld [smem:$0x3FFB];
	_ =	sdelay $0x3  }
0x92: {  	_ =	strace s18  }
0x93: {  	s3 =	sld [smem:$0x3FFC];
	_ =	sdelay $0x3  }
0x94: {  	_ =	strace s3  }
0x95: {  	s3 =	sld [smem:$0x3FFD];
	_ =	sdelay $0x3  }
0x96: {  	_ =	strace s3  }
0x97: {  	_ =	strace $0x8FFFFFFF  }
0x98: {  	s19 =	sld [smem:$0x3FDB];
	_ =	sdelay $0x1  }
0x99: {  	s4 =	simm.s32 $_scs_section_size  }
0x9a: {  	s5 =	simm.s32 $_size__tile_overlayer_lowered;
	s6 =	simm.s32 $_tile_overlayer_lowered  }
0x9b: {  	s22 =	simm.s32 $0x1BFF;
	s21 =	sshll.u32 s6, $0x1;
	s3 =	sadd.s32 s4, s19  }
0x9c: {  	s7 =	simm.s32 $0x0;
	s20 =	sshll.u32 s5, $0x1;
	s5 =	sadd.s32 s21, s3  }
0x9d: {  	[timem:s7], [sflag:s22] =	dma.local [hbm:s5], s20  }
0x9e: {  	_ =	swait.ge [sflag:s22], s20  }
0x9f: {  	s4 =	ssub.s32 $0x0, s20;
	[sflag:s22] =	ssyncset.done $0x0  }
0xa0: {  	[sflag:s22] =	ssyncadd.s32 s4;
	_ =	sdelay $0x1  }
0xa1: {  	s23 =	simm.s32 $0x1B8B  }
0xa2: {  	_ =	swait.ge [sflag:s23], $0x1  }
0xa3: {  	[sflag:s23] =	ssyncset.done $0x0  }
0xa4: {  	s25 =	simm.s32 $0x1B8E;
	s24 =	sld [smem:$0x3FFE];
	[sflag:s23] =	ssyncadd.s32 $0xFFFFFFFF  }
0xa5: {  	s26 =	simm.s32 $execute0_lowered;
	[smem:$0x3FD2] =	sst s25  }
0xa6: {  	s5 =	sshll.u32 s26, $0x1;
	_ =	strace $0x80000046;
	[dreg:$0x1] =	wrdreg $0xFFFFFFFF  }
0xa7: {  	s28 =	simm.s32 $_size_execute0_lowered;
	s3 =	sadd.s32 s3, s5;
	[dreg:$0x0] =	wrdreg $0x0  }
0xa8: {  	s5 =	sshll.u32 s28, $0x1;
	[dreg:$0x2] =	wrdreg s3  }
0xa9: {  	[dreg:$0x3] =	wrdreg s5  }
0xaa: {  	[dreg:$0x4] =	wrdreg $0xC0  }
0xab: {  	_ =	task [dreg:s7], $0x5FFFF  }
0xac: {  	[dreg:$0x1] =	wrdreg $0xFFFFFFFF  }
0xad: {  	[dreg:$0x0] =	wrdreg $0x60  }
0xae: {  	[dreg:$0x2] =	wrdreg s24  }
0xaf: {  	[dreg:$0x3] =	wrdreg s2  }
0xb0: {  	[dreg:$0x4] =	wrdreg $0x9  }
0xb1: {  	_ =	task.clear_ibuf [dreg:s7], $0x5FFFF;
	_ =	strace $0x90000046  }
0xb2: {  	s29 =	simm.s32 $0x9;
	_ =	strace $0x8000004F  }
0xb3: {  	_ =	swait.ge [sflag:s29], $0x1  }
0xb4: {  	[sflag:s29] =	ssyncadd.s32 $0xFFFFFFFF  }
0xb5: {  	_ =	strace $0x9000004F  }
0xb6: {  	_ =	sfence  }
0xb7: {  	s30 =	sld [smem:$0x0];
	_ =	sdelay $0x2  }
0xb8: {  	s31 =	sshll.u32 s1, $0xD;
	s1 =	sshrl.u32 s1, $0x2  }
0xb9: {  	s3 =	sand.u32 $0x4000, s31;
	s1 =	sadd.s32 s1, s30  }
0xba: {  	s0 =	sor.u32 s3, s0;
	s1 =	sshll.u32 s1, $0x11  }
0xbb: {  	s0 =	sor.u32 s1, s0  }
0xbc: {  	s0 =	sadd.s32 $0x8F2B, s0  }
0xbd: {  	[sflag:s0] =	ssyncadd.remote.s32 $0x1  }
0xbe: {  	_ =	sfence.sel $0xFFFF  }
0xbf: {  	[dreg:$0x0] =	wrdreg $0xFFFFFFFF;
	(pc) =	sbr.abs _section_cstart, $3  }
0xc0: {  	[dreg:$0x1] =	wrdreg $0xFFFFFFFF  }
0xc1: {  	_ =	task.clear_ibuf [dreg:s7], $0x2FFFF;
	_ =	strace $0x9FFFFFFF  }
0xc2: {  	(tm) =	ssettm $0x7FFFFFFF  }
0xc3: {  	_ =	shalt  }
tec
execute0_lowered:
.L_overlay_start_1:
0x0: {  	(tag) =	ssettag $0x1  }
0x1: {  	s4 =	rddreg [dreg:$0x0]  }
0x2: {  	s1 =	rddreg [dreg:$0x1]  }
0x3: {  	s2 =	srdreg.scid;
	s3 =	simm.s32 $0x0;
	s0 =	stileid.u32  }
0x4: {  	s11 =	simm.s32 $0x80;
	s5 =	sand.u32 $0x1, s2;
	[smem:$0x7FF] =	sst s3  }
0x5: {  	s7 =	sadd.s32 $0x7200, s4;
	s4 =	sadd.s32 $0x7AF200, s4;
	s6 =	sshll.u32 s5, $0x4  }
0x6: {  	_ =	strace $0x80000047;
	[dreg:$0x4] =	wrdreg s7;
	s6 =	sor.u32 s0, s6  }
0x7: {  	s12 =	simm.s32 $0x0;
	[dreg:$0x6] =	wrdreg s4;
	s26 =	smul.u32 $0x6, s6  }
0x8: {  	s9 =	ssub.s32 $0x2, s5;
	s5 =	simm.s32 $0x7;
	s8 =	smul.u32 $0x7, s6  }
0x9: {  	s28 =	sshrl.u32 s9, $0x1;
	p0 =	slt.u32 s6, $0x8;
	s4 =	sadd.s32 $0x8, s26  }
0xa: {  	[dreg:$0x5] =	wrdreg s11;
	s9 =	ssub.s32 s9, s28;
	s4 =	smov.u32 @p0 s8  }
0xb: {  	s5 =	simm.s32 @!p0 $0x6;
	s31 =	smax.u32 s9, $0x1;
	s29 =	sshll.u32 s4, $0x4  }
0xc: {  	s10 =	sadd.s32 $0x1FFFFFFF, s5;
	s8 =	sshll.u32 s4, $0x7;
	s7 =	sand.u32 $0x70, s29  }
0xd: {  	[dreg:$0x8] =	wrdreg s31;
	s8 =	sand.u32 $0xFFFFC00, s8;
	s7 =	sadd.s32 s1, s7  }
0xe: {  	s6 =	sshll.u32 s5, $0x3;
	[dreg:$0x3] =	wrdreg s10;
	s30 =	sadd.s32 s8, s7  }
0xf: {  	s11 =	simm.s32 $0x5;
	s8 =	sadd.s32 $0xFFFFFFFF, s6;
	[dreg:$0x7] =	wrdreg s30  }
.LBB2_1:
0x10: {  	_ =	strace $0x80000048  }
0x11: {  	s17 =	sand.u32 $0x1, s3;
	p0 =	por $0x0, $0x0;
	s15 =	simm.s32 $0x1  }
0x12: {  	s25 =	simm.s32 $0x0;
	s14 =	simm.s32 $0x1;
	p2 =	sne.s32 s6, $0x1  }
.Ltmp0:
0x13: {  	s0 =	rddreg [dreg:$0x7];
	s15 =	simm.s32 @!p0 $0x0;
	(pc) =	sbr.rel @!p2 .LBB2_2-.Ltmp0, $4  }
0x14: {  	[tilespmem:s3], [sflag:$0x1] =	stream.linear.gather [hbm4b:s0+s3], $0x80, $0x200038;
	[tilespmem:$0x8100] =	vst v63  }
0x15: {  	s13 =	simm.s32 $0x1;
	s14 =	simm.s32 @p0 $0x0;
	s16 =	sadd.s32 $0x0, s15  }
0x16: {  	p1 =	por $0x0, $0x0;
	p5 =	sne.s32 s14, $0x0;
	p0 =	seq.s32 s16, s5  }
0x17: {  	_ =	strace $0x90000048;
	s16 =	simm.s32 @p0 $0x0;
	p0 =	seq.s32 s8, $0x0  }
0x18: {  	p1 =	sne.s32 s16, $0x0;
	p2 =	sgt.u32 s8, $0x0  }
0x19: {  	s15 =	sadd.s32 s4, s16;
	s18 =	simm.s32 $0x1;
	s0 =	simm.s32 $0x1  }
0x1a: {  	s26 =	rddreg [dreg:$0x3];
	s9 =	sadd.s32 $0x1, s17;
	p4 =	sne.s32 s6, $0x2  }
0x1b: {  	s28 =	simm.s32 $0xFFFFFFFF;
	s10 =	sadd.s32 $0x0, s4;
	s31 =	sshll.u32 s17, $0xE  }
0x1c: {  	s25 =	sand.u32 $0x80, s25;
	p3 =	por p5, p1;
	s23 =	sshll.u32 s15, $0x3  }
0x1d: {  	p5 =	por $0x0, $0x0;
	p1 =	por !p2, !p3;
	p2 =	por p0, p3  }
0x1e: {  	s7 =	sadd.s32 s14, s23;
	p1 =	por !p1, !p1;
	s18 =	simm.s32 @!p2 $0x0  }
0x1f: {  	p2 =	por $0x1, $0x1;
	s19 =	sand.u32 @p1 $0x3FFFF8, s15;
	s20 =	sshll.u32 @p1 s15, $0x7  }
0x20: {  	s21 =	sand.u32 @p1 $0x1, s0;
	_ =	strace @p1 $0x80000049;
	s19 =	sadd.s32 @p1 s14, s19  }
0x21: {  	s24 =	simm.s32 @p1 $0x0;
	s20 =	sand.u32 @p1 $0x380, s20;
	s19 =	sshll.u32 @p1 s19, $0xA  }
0x22: {  	s28 =	simm.s32 @p2 $0x7;
	s15 =	sor.u32 @p1 s20, s19;
	s19 =	simm.s32 $0x1  }
0x23: {  	s20 =	sshll.u32 @p1 s21, $0x7;
	s19 =	simm.s32 @!p1 $0x0;
	s22 =	sshrl.u32 @p1 s15, $0x3  }
0x24: {  	s21 =	sadd.s32 @p1 $0x1, s21;
	s15 =	sadd.s32 $0x1, s19;
	s19 =	sadd.s32 @p1 s1, s22  }
0x25: {  	[tilespmem:s20], [sflag:s21] =	stream.linear.gather @p1 [hbm4b:s19+s24], $0x80, $0x200038;
	[tilespmem:$0x8100] =	vst v63  }
0x26: {  	s22 =	sadd.s32 $0x0, s18;
	s19 =	simm.s32 $0x1;
	_ =	strace @p1 $0x90000049  }
0x27: {  	s18 =	sadd.s32 $0x1, s14;
	s19 =	simm.s32 @!p2 $0x0;
	_ =	strace $0x8000004A  }
0x28: {  	s23 =	sand.u32 $0x1, s22;
	s19 =	ssub.s32 $0x0, s19;
	_ =	swait.ge [sflag:s9], $0x80  }
0x29: {  	s20 =	sshll.u32 s22, $0x7;
	p1 =	seq.s32 s19, $0xFFFFFFFF;
	[sflag:s9] =	ssyncset.done $0x0  }
0x2a: {  	s24 =	simm.s32 $0x2;
	s19 =	smov.u32 @p1 s26;
	[sflag:s9] =	ssyncadd.s32 $0xFFFFFF80  }
0x2b: {  	s21 =	sshll.u32 s10, $0x3;
	s19 =	sadd.s32 s4, s19;
	_ =	strace $0x9000004A  }
0x2c: {  	s21 =	sadd.s32 $0x0, s21;
	s19 =	sshll.u32 s19, $0x3;
	_ =	strace $0x8000004B  }
0x2d: {  	p6 =	sne.s32 s21, s7;
	s19 =	sadd.s32 s28, s19;
	s29 =	rddreg [dreg:$0x4]  }
0x2e: {  	s26 =	sor.u32 $0x100, s31;
	s28 =	rddreg [dreg:$0x5];
	p3 =	sne.s32 s21, s19  }
0x2f: {  	[tilespmem:s26], [sflag:$0x5] =	stream.indirect.gather [hbm4b:s29+s28], $0x80, s25, s28, $0x2000b8;
	[tilespmem:$0x8100] =	vst v63  }
0x30: {  	s19 =	simm.s32 $0x1;
	p1 =	por !p5, !p3;
	p3 =	por p0, p6  }
0x31: {  	p2 =	por !p1, !p1;
	_ =	swait.ge [sflag:s11], $0x4000;
	p1 =	seq.s32 s18, $0x8  }
0x32: {  	s29 =	sshll.u32 @p3 s21, $0xB;
	s21 =	simm.s32 $0x0;
	s28 =	sand.u32 @p2 $0x1, s3  }
.Ltmp1:
0x33: {  	[sflag:s11] =	ssyncset.done $0x0;
	s18 =	simm.s32 @p1 $0x0;
	(pc) =	sbr.rel @!p4 .LBB2_4-.Ltmp1, $4  }
0x34: {  	s19 =	simm.s32 @!p1 $0x0;
	p1 =	por $0x1, $0x1;
	[sflag:s11] =	ssyncadd.s32 $0xFFFFC000  }
0x35: {  	s25 =	sadd.s32 s19, s16;
	p5 =	sne.s32 s14, s18;
	_ =	strace $0x9000004B  }
0x36: {  	s19 =	simm.s32 $0x0;
	p0 =	seq.s32 s25, s5;
	_ =	strace @p3 $0x8000004C  }
0x37: {  	s25 =	simm.s32 @p0 $0x0;
	p0 =	seq.s32 s8, $0x1;
	s30 =	rddreg [dreg:$0x6]  }
.LBB2_5:
0x38: {  	p4 =	sne.s32 s16, s25  }
0x39: {  	p6 =	slt.u32 s13, s8;
	s31 =	simm.s32 $0x1;
	s29 =	sand.u32 @p3 $0x1FFFF800, s29  }
0x3a: {  	s31 =	simm.s32 @!p3 $0x0;
	p4 =	por p5, p4;
	s29 =	sadd.s32 @p3 s30, s29  }
0x3b: {  	s30 =	sadd.s32 s4, s25;
	s21 =	sadd.s32 s31, s21;
	p5 =	por !p6, !p4  }
0x3c: {  	p4 =	por p0, p4;
	s31 =	simm.s32 $0x1;
	p5 =	por !p5, !p5  }
0x3d: {  	s9 =	simm.s32 @p3 $0x0;
	s31 =	simm.s32 @!p4 $0x0;
	s0 =	sand.u32 @p5 $0x3FFFF8, s30  }
0x3e: {  	s2 =	sshll.u32 @p5 s30, $0x7;
	s10 =	sand.u32 @p5 $0x1, s15;
	s0 =	sadd.s32 @p5 s18, s0  }
0x3f: {  	s30 =	sshll.u32 s30, $0x3;
	s2 =	sand.u32 @p5 $0x380, s2;
	s0 =	sshll.u32 @p5 s0, $0xA  }
0x40: {  	s22 =	sadd.s32 s31, s22;
	s0 =	sor.u32 @p5 s2, s0;
	s2 =	simm.s32 $0x1  }
0x41: {  	s31 =	simm.s32 @p5 $0x0;
	s7 =	sshll.u32 @p5 s10, $0x7;
	s2 =	simm.s32 @!p5 $0x0  }
0x42: {  	s10 =	sadd.s32 @p5 $0x1, s10;
	s0 =	sshrl.u32 @p5 s0, $0x3;
	s15 =	sadd.s32 s2, s15  }
0x43: {  	s2 =	sadd.s32 @p3 $0x3, s17;
	s0 =	sadd.s32 @p5 s1, s0;
	s17 =	simm.s32 $0x1  }
0x44: {  	[hbm4b:s29+s9] =	stream.linear.scatter @p3 [tilespmem:s26], [sflag:s2], $0x4000, $0x200038;
	[tilespmem:$0x8100] =	vst v63  }
0x45: {  	s29 =	sadd.s32 s18, s30;
	s2 =	sadd.s32 @p2 $0x3, s28;
	s9 =	sand.u32 $0x1, s22  }
0x46: {  	s17 =	simm.s32 @!p2 $0x0;
	s26 =	sshll.u32 s22, $0x7;
	_ =	strace @p3 $0x9000004C  }
0x47: {  	s28 =	simm.s32 $0x1;
	s19 =	sadd.s32 s17, s19;
	_ =	strace @p2 $0x8000004D  }
0x48: {  	p3 =	seq.s32 s14, $0x0;
	s17 =	sadd.s32 $0xFFFFFFFF, s14;
	_ =	swait.ge @p2 [sflag:s2], $0x4000  }
0x49: {  	s28 =	simm.s32 @!p3 $0x0;
	s17 =	simm.s32 @p3 $0x7;
	[sflag:s2] =	ssyncset.done @p2 $0x0  }
0x4a: {  	[sflag:s2] =	ssyncadd.s32 @p2 $0xFFFFC000;
	s2 =	smov.u32 s24;
	s24 =	sadd.s32 $0x1, s24  }
0x4b: {  	s28 =	ssub.s32 s16, s28;
	p4 =	sne.s32 s6, s24;
	_ =	strace @p2 $0x9000004D  }
0x4c: {  	p2 =	seq.s32 s28, $0xFFFFFFFF;
	s30 =	rddreg [dreg:$0x3];
	_ =	strace @p5 $0x80000049  }
0x4d: {  	[tilespmem:s7], [sflag:s10] =	stream.linear.gather @p5 [hbm4b:s0+s31], $0x80, $0x200038;
	[tilespmem:$0x8100] =	vst v63  }
0x4e: {  	s10 =	sadd.s32 s4, s16;
	s28 =	smov.u32 @p2 s30;
	s16 =	sadd.s32 $0x1, s23  }
0x4f: {  	_ =	strace @p5 $0x90000049;
	s23 =	sadd.s32 s4, s28;
	s0 =	sshll.u32 s10, $0x3  }
0x50: {  	p5 =	sne.s32 s13, $0x0;
	s13 =	smov.u32 s2;
	_ =	strace $0x8000004A  }
0x51: {  	s10 =	sshll.u32 s23, $0x3;
	s0 =	sadd.s32 s14, s0;
	s23 =	smov.u32 s9  }
0x52: {  	s14 =	smov.u32 s18;
	s18 =	sadd.s32 $0x1, s18;
	_ =	swait.ge [sflag:s16], $0x80  }
0x53: {  	s31 =	sadd.s32 s17, s10;
	s17 =	sand.u32 $0x1, s21;
	[sflag:s16] =	ssyncset.done $0x0  }
0x54: {  	p6 =	sne.s32 s0, s29;
	p3 =	sne.s32 s0, s31;
	[sflag:s16] =	ssyncadd.s32 $0xFFFFFF80  }
0x55: {  	s10 =	sshll.u32 s17, $0xE;
	s31 =	sand.u32 $0x80, s20;
	_ =	strace $0x9000004A  }
0x56: {  	s20 =	smov.u32 s26;
	p2 =	por !p5, !p3;
	_ =	strace $0x8000004B  }
0x57: {  	s16 =	smov.u32 s25;
	s26 =	sor.u32 $0x100, s10;
	s7 =	rddreg [dreg:$0x4]  }
0x58: {  	p5 =	seq.s32 s18, $0x8;
	p3 =	por p0, p6;
	s2 =	rddreg [dreg:$0x5]  }
0x59: {  	[tilespmem:s26], [sflag:$0x5] =	stream.indirect.gather [hbm4b:s7+s2], $0x80, s31, s2, $0x2000b8;
	[tilespmem:$0x8100] =	vst v63  }
0x5a: {  	p2 =	por !p2, !p2;
	s18 =	simm.s32 @p5 $0x0;
	_ =	swait.ge [sflag:s11], $0x4000  }
.Ltmp2:
0x5b: {  	s2 =	simm.s32 $0x1;
	[sflag:s11] =	ssyncset.done $0x0;
	(pc) =	sbr.rel @p4 .LBB2_5-.Ltmp2, $4  }
0x5c: {  	s29 =	sshll.u32 @p3 s0, $0xB;
	s2 =	simm.s32 @!p5 $0x0;
	[sflag:s11] =	ssyncadd.s32 $0xFFFFC000  }
0x5d: {  	s28 =	sand.u32 @p2 $0x1, s19;
	s25 =	sadd.s32 s2, s25;
	_ =	strace $0x9000004B  }
0x5e: {  	p5 =	sne.s32 s14, s18;
	p0 =	seq.s32 s25, s5;
	_ =	strace @p3 $0x8000004C  }
0x5f: {  	s25 =	simm.s32 @p0 $0x0;
	p0 =	seq.s32 s8, s13;
	s30 =	rddreg [dreg:$0x6]  }
0x60: {  	s22 =	smov.u32 s16;
	s24 =	smov.u32 s17  }
0x61: {  	s16 =	smov.u32 s25;
	s17 =	smov.u32 s23;
	s25 =	smov.u32 s20  }
.LBB2_7:
0x62: {  	p4 =	sne.s32 s22, s16;
	p6 =	slt.u32 s13, s8;
	p3 =	por !p3, !p1  }
0x63: {  	p2 =	por !p2, !p1;
	s20 =	sadd.s32 $0x1, s17;
	s25 =	sand.u32 $0x80, s25  }
0x64: {  	p4 =	por p5, p4;
	s0 =	sand.u32 @!p3 $0x1FFFF800, s29;
	s2 =	simm.s32 @!p3 $0x0  }
0x65: {  	s7 =	sadd.s32 @!p3 $0x3, s24;
	s24 =	sadd.s32 s4, s22;
	s0 =	sadd.s32 @!p3 s30, s0  }
0x66: {  	[hbm4b:s0+s2] =	stream.linear.scatter @!p3 [tilespmem:s26], [sflag:s7], $0x4000, $0x200038;
	[tilespmem:$0x8100] =	vst v63  }
0x67: {  	p4 =	por !p6, !p4;
	p6 =	sne.s32 s13, $0x0;
	s0 =	sadd.s32 s4, s16  }
0x68: {  	p4 =	por !p4, !p4;
	s2 =	sadd.s32 @!p2 $0x3, s28;
	s16 =	simm.s32 $0x1  }
0x69: {  	_ =	strace @!p3 $0x9000004C;
	s7 =	sand.u32 @p4 $0x3FFFF8, s0;
	s9 =	sshll.u32 @p4 s0, $0x7  }
0x6a: {  	s10 =	sand.u32 @p4 $0x1, s15;
	s15 =	simm.s32 @p4 $0x0;
	_ =	strace @!p2 $0x8000004D  }
0x6b: {  	s0 =	sshll.u32 s0, $0x3;
	s7 =	sadd.s32 @p4 s18, s7;
	_ =	swait.ge @!p2 [sflag:s2], $0x4000  }
0x6c: {  	s9 =	sand.u32 @p4 $0x380, s9;
	s7 =	sshll.u32 @p4 s7, $0xA;
	[sflag:s2] =	ssyncset.done @!p2 $0x0  }
0x6d: {  	s7 =	sor.u32 @p4 s9, s7;
	s9 =	sadd.s32 @p4 $0x1, s10;
	[sflag:s2] =	ssyncadd.s32 @!p2 $0xFFFFC000  }
0x6e: {  	s2 =	sshll.u32 @p4 s10, $0x7;
	s7 =	sshrl.u32 @p4 s7, $0x3;
	_ =	strace @!p2 $0x9000004D  }
0x6f: {  	s7 =	sadd.s32 @p4 s1, s7;
	s10 =	rddreg [dreg:$0x3];
	_ =	strace @p4 $0x80000049  }
0x70: {  	[tilespmem:s2], [sflag:s9] =	stream.linear.gather @p4 [hbm4b:s7+s15], $0x80, $0x200038;
	[tilespmem:$0x8100] =	vst v63  }
0x71: {  	s26 =	sshll.u32 s24, $0x3;
	s0 =	sadd.s32 s18, s0;
	s2 =	simm.s32 $0x1  }
0x72: {  	s9 =	simm.s32 $0x1;
	s7 =	sadd.s32 $0xFFFFFFFF, s14;
	_ =	strace @p4 $0x90000049  }
0x73: {  	s15 =	simm.s32 $0x0;
	s2 =	simm.s32 @p3 $0x0;
	_ =	strace $0x8000004A  }
0x74: {  	s9 =	simm.s32 @p2 $0x0;
	p2 =	seq.s32 s14, $0x0;
	_ =	swait.ge [sflag:s20], $0x80  }
0x75: {  	s2 =	sadd.s32 @p1 s2, s21;
	s16 =	simm.s32 @!p2 $0x0;
	[sflag:s20] =	ssyncset.done $0x0  }
0x76: {  	s7 =	simm.s32 @p2 $0x7;
	s9 =	sadd.s32 @p1 s9, s19;
	[sflag:s20] =	ssyncadd.s32 $0xFFFFFF80  }
0x77: {  	s15 =	smov.u32 @p1 s2;
	s16 =	ssub.s32 s22, s16;
	_ =	strace $0x9000004A  }
0x78: {  	s2 =	sand.u32 $0x1, s15;
	p3 =	seq.s32 s16, $0xFFFFFFFF;
	_ =	strace $0x8000004B  }
0x79: {  	s20 =	sshll.u32 s2, $0xE;
	s16 =	smov.u32 @p3 s10;
	s21 =	rddreg [dreg:$0x4]  }
0x7a: {  	s10 =	sadd.s32 s14, s26;
	s20 =	sor.u32 $0x100, s20;
	s23 =	rddreg [dreg:$0x5]  }
0x7b: {  	[tilespmem:s20], [sflag:$0x5] =	stream.indirect.gather [hbm4b:s21+s23], $0x80, s25, s23, $0x2000b8;
	[tilespmem:$0x8100] =	vst v63  }
0x7c: {  	s28 =	sadd.s32 s4, s16;
	p4 =	sne.s32 s10, s0;
	_ =	swait.ge [sflag:s11], $0x4000  }
0x7d: {  	s29 =	sshll.u32 s28, $0x3;
	p0 =	por p0, p4;
	[sflag:s11] =	ssyncset.done $0x0  }
0x7e: {  	s0 =	sadd.s32 s7, s29;
	s7 =	simm.s32 $0x0;
	[sflag:s11] =	ssyncadd.s32 $0xFFFFC000  }
0x7f: {  	s2 =	sadd.s32 @p0 $0x3, s2;
	p5 =	sne.s32 s10, s0;
	_ =	strace $0x9000004B  }
0x80: {  	s10 =	sshll.u32 @p0 s10, $0xB;
	s7 =	smov.u32 @p1 s9;
	_ =	strace @p0 $0x8000004C  }
0x81: {  	p2 =	por !p6, !p5;
	s9 =	sand.u32 @p0 $0x1FFFF800, s10;
	s0 =	rddreg [dreg:$0x6]  }
0x82: {  	p2 =	por !p2, !p2;
	s0 =	sadd.s32 @p0 s0, s9;
	s9 =	simm.s32 @p0 $0x0  }
0x83: {  	[hbm4b:s0+s9] =	stream.linear.scatter @p0 [tilespmem:s20], [sflag:s2], $0x4000, $0x200038;
	[tilespmem:$0x8100] =	vst v63  }
0x84: {  	s0 =	sand.u32 @p2 $0x1, s7;
	_ =	strace @p0 $0x9000004C  }
0x85: {  	s0 =	sadd.s32 @p2 $0x3, s0;
	_ =	strace @p2 $0x8000004D  }
0x86: {  	s2 =	simm.s32 $0x1;
	_ =	swait.ge @p2 [sflag:s0], $0x4000  }
0x87: {  	s2 =	simm.s32 @!p2 $0x0;
	[sflag:s0] =	ssyncset.done @p2 $0x0  }
0x88: {  	s2 =	sadd.s32 s2, s7;
	[sflag:s0] =	ssyncadd.s32 @p2 $0xFFFFC000  }
0x89: {  	s30 =	sand.u32 $0x1, s2;
	_ =	strace @p2 $0x9000004D  }
0x8a: {  	s0 =	sadd.s32 $0x3, s30;
	_ =	strace $0x8000004E  }
0x8b: {  	_ =	swait.ge [sflag:s0], $0x4000  }
0x8c: {  	s12 =	sadd.s32 $0x1, s12;
	s31 =	rddreg [dreg:$0x8]  }
0x8d: {  	p0 =	sne.s32 s12, s31  }
.Ltmp3:
0x8e: {  	_ = 	snop;
	(pc) =	sbr.rel @p0 .LBB2_1-.Ltmp3, $4  }
.Ltmp4:
0x8f: {  	_ = 	snop;
	(pc) =	sbr.rel @!p0 .LBB2_8-.Ltmp4, $4  }
0x90: {  	[sflag:s0] =	ssyncset.done $0x0  }
0x91: {  	[sflag:s0] =	ssyncadd.s32 $0xFFFFC000  }
0x92: {  	_ =	strace $0x9000004E  }
0x93: {  	_ = 	snop  }
.LBB2_2:
.Ltmp5:
0x94: {  	(pc) =	sbr.rel .LBB2_7-.Ltmp5, $4  }
0x95: {  	_ = 	snop  }
0x96: {  	s22 =	simm.s32 $0x0  }
0x97: {  	s13 =	simm.s32 $0x0;
	s21 =	simm.s32 $0x0;
	s18 =	smov.u32 s14  }
0x98: {  	s15 =	simm.s32 $0x1;
	s19 =	simm.s32 $0x0;
	s14 =	simm.s32 $0x0  }
.LBB2_4:
.Ltmp6:
0x99: {  	(pc) =	sbr.rel .LBB2_7-.Ltmp6, $4  }
0x9a: {  	_ = 	snop  }
0x9b: {  	s22 =	smov.u32 s16  }
0x9c: {  	s24 =	smov.u32 s17;
	s16 =	smov.u32 s25;
	s21 =	simm.s32 $0x0  }
0x9d: {  	s19 =	simm.s32 $0x0;
	s17 =	smov.u32 s23;
	s25 =	smov.u32 s20  }
.LBB2_8:
0x9e: {  	_ =	sfence.sel $0x180000  }
0x9f: {  	[bflag:$0x0] =	sbarrier.arrive $0xFFFF  }
0xa0: {  	_ =	strace $0x90000047  }
0xa1: {  	s0 =	stileid.u32;
	[bflag:$0x2] =	sbarrier.arrive $0xFFFF  }
0xa2: {  	p0 =	sne.s32 s0, $0x0;
	s0 =	rddreg [dreg:$0x2]  }
0xa3: {  	s0 =	sadd.s32 @!p0 $0x100000, s0  }
0xa4: {  	[sflag:s0] =	ssyncadd.tile.s32 @!p0 $0x1;
	_ =	shalt  }
.Lfunc_end2:
_tile_overlayer_lowered:
.L_overlay_start_2:
0xa5: {  	(tag) =	ssettag $0x2  }
0xa6: {  	s0 =	rddreg [dreg:$0x0];
	s2 =	stileid.u32  }
0xa7: {  	s1 =	rddreg [dreg:$0x1];
	p0 =	sne.s32 s2, $0x0  }
0xa8: {  	s3 =	rddreg [dreg:$0x2];
	[bflag:$0x3] =	sbarrier.arrive $0xFFFF;
	s2 =	simm.s32 @!p0 $0x1C01  }
0xa9: {  	[timem:s3], [sflag:s2] =	dma.local @!p0 [hbm:s0], s1  }
0xaa: {  	s0 =	simm.s32 @!p0 $0x1  }
0xab: {  	_ =	swait.ge @!p0 [sflag:s0], s1  }
0xac: {  	s1 =	ssub.s32 @!p0 $0x0, s1;
	[sflag:s0] =	ssyncset.done @!p0 $0x0  }
0xad: {  	[sflag:s0] =	ssyncadd.s32 @!p0 s1  }
0xae: {  	[bflag:$0x3] =	sbarrier.arrive $0xFFFF  }
0xaf: {  	_ =	shalt  }

</sc_bundles>
